<compile_context>
chip_gen: v7x
topology: tpu7x:2x2x1
jax: 0.10.2.dev20260603
libtpu: 0.0.44.dev20260713+nightly
codegen_flags: <defaults>
</compile_context>

<pallas_src>
import jax
import jax.numpy as jnp
from jax import lax
from jax.experimental import pallas as pl
from jax.experimental.pallas import tpu as pltpu
from jax.experimental.pallas import tpu_sc as plsc

NUM_ROWS_TABLE = 1_000_000
EMBED_DIM = 32
BATCH_SIZE = 16384

NC = 2
NS = 16
LANES = 16
NW = NC * NS
B_PER_W = BATCH_SIZE // NW
IDX_CHUNK = 128
CHUNKS = B_PER_W // IDX_CHUNK
GROUPS = B_PER_W // LANES


def _body(uid_hbm, iid_hbm, uemb_hbm, iemb_hbm, ub_hbm, ib_hbm, mean_hbm,
          out_hbm, uidx_v, iidx_v, u_rows, i_rows, ub_v, ib_v, out_v,
          mean_v, sem):
    wid = lax.axis_index("s") * NC + lax.axis_index("c")
    base_row = wid * CHUNKS
    base = wid * B_PER_W

    pltpu.sync_copy(uid_hbm.at[pl.ds(base_row, CHUNKS)], uidx_v)
    pltpu.sync_copy(iid_hbm.at[pl.ds(base_row, CHUNKS)], iidx_v)
    pltpu.sync_copy(mean_hbm, mean_v)

    copies = []
    for j in range(CHUNKS):
        sl = pl.ds(j * IDX_CHUNK, IDX_CHUNK)
        copies.append(pltpu.async_copy(
            uemb_hbm.at[uidx_v.at[j]], u_rows.at[sl], sem))
        copies.append(pltpu.async_copy(
            iemb_hbm.at[iidx_v.at[j]], i_rows.at[sl], sem))
        copies.append(pltpu.async_copy(
            ub_hbm.at[uidx_v.at[j]], ub_v.at[sl], sem))
        copies.append(pltpu.async_copy(
            ib_hbm.at[iidx_v.at[j]], ib_v.at[sl], sem))
    for c in copies:
        c.wait()

    H = EMBED_DIM // 2
    lane = lax.iota(jnp.int32, LANES)
    zeros16 = jnp.zeros((LANES,), jnp.float32)
    mean16 = mean_v[...]

    def step(s, carry):
        r0 = s * LANES
        acc = zeros16
        for r in range(LANES):
            u0 = u_rows[r0 + r, pl.ds(0, H)]
            u1 = u_rows[r0 + r, pl.ds(H, H)]
            i0 = i_rows[r0 + r, pl.ds(0, H)]
            i1 = i_rows[r0 + r, pl.ds(H, H)]
            p = u0 * i0 + u1 * i1
            acc = jnp.where(lane == r, jnp.sum(p), acc)
        out_v[pl.ds(r0, LANES)] = acc
        return carry

    lax.fori_loop(0, GROUPS, step, 0)

    for g in range(GROUPS):
        sl = pl.ds(g * LANES, LANES)
        out_v[sl] = out_v[sl] + ub_v[sl] + ib_v[sl] + mean16

    pltpu.sync_copy(out_v, out_hbm.at[pl.ds(base, B_PER_W)])


@jax.jit
def _run(u_id2d, i_id2d, user_emb, item_emb, ub_flat, ib_flat, mean16):
    mesh = plsc.VectorSubcoreMesh(core_axis_name="c", subcore_axis_name="s")
    call = pl.kernel(
        _body,
        out_type=jax.ShapeDtypeStruct((BATCH_SIZE,), jnp.float32),
        mesh=mesh,
        compiler_params=pltpu.CompilerParams(
            needs_layout_passes=False, use_tc_tiling_on_sc=False),
        scratch_types=[
            pltpu.VMEM((CHUNKS, IDX_CHUNK), jnp.int32),
            pltpu.VMEM((CHUNKS, IDX_CHUNK), jnp.int32),
            pltpu.VMEM((B_PER_W, EMBED_DIM), jnp.float32),
            pltpu.VMEM((B_PER_W, EMBED_DIM), jnp.float32),
            pltpu.VMEM((B_PER_W,), jnp.float32),
            pltpu.VMEM((B_PER_W,), jnp.float32),
            pltpu.VMEM((B_PER_W,), jnp.float32),
            pltpu.VMEM((LANES,), jnp.float32),
            pltpu.SemaphoreType.DMA,
        ],
    )
    return call(u_id2d, i_id2d, user_emb, item_emb, ub_flat, ib_flat, mean16)


def kernel(u_id, i_id, user_emb, item_emb, user_bias, item_bias, mean):
    u_id2d = u_id.astype(jnp.int32).reshape(NW * CHUNKS, IDX_CHUNK)
    i_id2d = i_id.astype(jnp.int32).reshape(NW * CHUNKS, IDX_CHUNK)
    ub_flat = user_bias.reshape(-1)
    ib_flat = item_bias.reshape(-1)
    mean16 = jnp.broadcast_to(mean.astype(jnp.float32).reshape(()), (LANES,))
    return _run(u_id2d, i_id2d, user_emb, item_emb, ub_flat, ib_flat, mean16)

# --- scband reference (transcript-rebuilt; emitter-appended) ---
"""Pipeline reference for scband-svd-40364102648056 (READ-ONLY COPY).

The authoritative reference and input builder live on the scoring server;
editing this copy changes nothing except your own understanding.
"""

import jax, jax.numpy as jnp
import numpy as np

NUM_USERS = 1000000
NUM_ITEMS = 1000000
EMBED = 32
BATCH = 16384
MEAN = 3.5

def setup_inputs(seed: int = 0) -> dict:
    key = jax.random.key(seed)
    k1, k2, k3, k4, k5, k6 = jax.random.split(key, 6)
    u_id = jax.random.randint(k1, (BATCH,), 0, NUM_USERS, dtype=jnp.int64) if jax.config.jax_enable_x64 else jax.random.randint(k1, (BATCH,), 0, NUM_USERS).astype(jnp.int32)
    i_id = jax.random.randint(k2, (BATCH,), 0, NUM_ITEMS).astype(u_id.dtype)
    user_emb = jax.random.uniform(k3, (NUM_USERS, EMBED), dtype=jnp.float32, minval=0.0, maxval=0.005)
    item_emb = jax.random.uniform(k4, (NUM_ITEMS, EMBED), dtype=jnp.float32, minval=0.0, maxval=0.005)
    user_bias = jax.random.uniform(k5, (NUM_USERS, 1), dtype=jnp.float32, minval=-0.01, maxval=0.01)
    item_bias = jax.random.uniform(k6, (NUM_ITEMS, 1), dtype=jnp.float32, minval=-0.01, maxval=0.01)
    mean = jnp.array([MEAN], dtype=jnp.float32)
    return {"u_id": u_id, "i_id": i_id, "user_emb": user_emb, "item_emb": item_emb, "user_bias": user_bias, "item_bias": item_bias, "mean": mean}

def reference(u_id, i_id, user_emb, item_emb, user_bias, item_bias, mean):
    u = jnp.take(user_emb, u_id, axis=0)            # (B, E)
    i = jnp.take(item_emb, i_id, axis=0)            # (B, E)
    b_u = jnp.take(user_bias, u_id, axis=0).squeeze(-1)  # (B,)
    b_i = jnp.take(item_bias, i_id, axis=0).squeeze(-1)  # (B,)
    return (u * i).sum(axis=1) + b_u + b_i + mean

if __name__ == "__main__":
    import jax
    _d = setup_inputs()
    print(jax.jit(kernel)(*tuple(_d.values())))

</pallas_src>

<mosaic_0001>
#map = affine_map<(d0, d1) -> (0, 0)>
#map1 = affine_map<(d0, d1) -> (0)>
module attributes {stable_mosaic.version = 14 : i64} {
  func.func @_body(%arg0: i32, %arg1: i32, %arg2: memref<128x128xi32, #tpu.memory_space<hbm>>, %arg3: memref<128x128xi32, #tpu.memory_space<hbm>>, %arg4: memref<1000000x32xf32, #tpu.memory_space<hbm>>, %arg5: memref<1000000x32xf32, #tpu.memory_space<hbm>>, %arg6: memref<1000000xf32, #tpu.memory_space<hbm>>, %arg7: memref<1000000xf32, #tpu.memory_space<hbm>>, %arg8: memref<16xf32, #tpu.memory_space<hbm>>, %arg9: memref<16384xf32, #tpu.memory_space<hbm>>, %arg10: memref<4x128xi32, #tpu.memory_space<vmem>>, %arg11: memref<4x128xi32, #tpu.memory_space<vmem>>, %arg12: memref<512x32xf32, #tpu.memory_space<vmem>>, %arg13: memref<512x32xf32, #tpu.memory_space<vmem>>, %arg14: memref<512xf32, #tpu.memory_space<vmem>>, %arg15: memref<512xf32, #tpu.memory_space<vmem>>, %arg16: memref<512xf32, #tpu.memory_space<vmem>>, %arg17: memref<16xf32, #tpu.memory_space<vmem>>, %arg18: memref<!tpu.dma_semaphore, #tpu.memory_space<semaphore_mem>>) attributes {dimension_semantics = [#tpu.dimension_semantics<core_parallel>, #tpu.dimension_semantics<subcore_parallel>], iteration_bounds = array<i64: 2, 16>, scalar_prefetch = 0 : i64, scratch_operands = 9 : i64, tpu.core_type = #tpu.core_type<sc_vector_subcore>, window_params = [{transform_indices = #map}, {transform_indices = #map}, {transform_indices = #map}, {transform_indices = #map}, {transform_indices = #map1}, {transform_indices = #map1}, {transform_indices = #map1}, {transform_indices = #map1}]} {
    %mul3A = arith.constant 2 : i32
    %mul3A_0 = arith.muli %arg1, %mul3A : i32
    %add3A = arith.addi %mul3A_0, %arg0 : i32
    %mul3A_1 = arith.constant 4 : i32
    %mul3A_2 = arith.muli %add3A, %mul3A_1 : i32
    %mul3A_3 = arith.constant 512 : i32
    %mul3A_4 = arith.muli %add3A, %mul3A_3 : i32
    "tpu.region"() ({
      %run_scoped3A = tpu.sem_alloc : memref<!tpu.dma_semaphore, #tpu.memory_space<semaphore_mem>>
      %dma_start3A_649 = arith.constant 0 : i32
      %dma_start3A_650 = tpu.memref_slice %arg2[%mul3A_2, %dma_start3A_649] : memref<128x128xi32, #tpu.memory_space<hbm>> -> memref<4x128xi32, #tpu.memory_space<hbm>>
      %dma_start3A_651 = arith.constant 0 : i32
      %dma_start3A_652 = tpu.memref_slice %arg2[%mul3A_2, %dma_start3A_651] : memref<128x128xi32, #tpu.memory_space<hbm>> -> memref<4x128xi32, #tpu.memory_space<hbm>>
      tpu.enqueue_dma source(%dma_start3A_652 : memref<4x128xi32, #tpu.memory_space<hbm>>) target(%arg10 : memref<4x128xi32, #tpu.memory_space<vmem>>) target_semaphore(%run_scoped3A : memref<!tpu.dma_semaphore, #tpu.memory_space<semaphore_mem>>)
      %dma_wait3A_653 = arith.constant 0 : i32
      %dma_wait3A_654 = tpu.memref_slice %arg2[%mul3A_2, %dma_wait3A_653] : memref<128x128xi32, #tpu.memory_space<hbm>> -> memref<4x128xi32, #tpu.memory_space<hbm>>
      %dma_wait3A_655 = arith.constant 0 : i32
      %dma_wait3A_656 = tpu.memref_slice %arg2[%mul3A_2, %dma_wait3A_655] : memref<128x128xi32, #tpu.memory_space<hbm>> -> memref<4x128xi32, #tpu.memory_space<hbm>>
      tpu.wait_dma2 semaphore(%run_scoped3A : memref<!tpu.dma_semaphore, #tpu.memory_space<semaphore_mem>>) src(%dma_wait3A_656 : memref<4x128xi32, #tpu.memory_space<hbm>>) dst(%arg10 : memref<4x128xi32, #tpu.memory_space<vmem>>)
      tpu.yield
    }) : () -> ()
    "tpu.region"() ({
      %run_scoped3A = tpu.sem_alloc : memref<!tpu.dma_semaphore, #tpu.memory_space<semaphore_mem>>
      %dma_start3A_649 = arith.constant 0 : i32
      %dma_start3A_650 = tpu.memref_slice %arg3[%mul3A_2, %dma_start3A_649] : memref<128x128xi32, #tpu.memory_space<hbm>> -> memref<4x128xi32, #tpu.memory_space<hbm>>
      %dma_start3A_651 = arith.constant 0 : i32
      %dma_start3A_652 = tpu.memref_slice %arg3[%mul3A_2, %dma_start3A_651] : memref<128x128xi32, #tpu.memory_space<hbm>> -> memref<4x128xi32, #tpu.memory_space<hbm>>
      tpu.enqueue_dma source(%dma_start3A_652 : memref<4x128xi32, #tpu.memory_space<hbm>>) target(%arg11 : memref<4x128xi32, #tpu.memory_space<vmem>>) target_semaphore(%run_scoped3A : memref<!tpu.dma_semaphore, #tpu.memory_space<semaphore_mem>>)
      %dma_wait3A_653 = arith.constant 0 : i32
      %dma_wait3A_654 = tpu.memref_slice %arg3[%mul3A_2, %dma_wait3A_653] : memref<128x128xi32, #tpu.memory_space<hbm>> -> memref<4x128xi32, #tpu.memory_space<hbm>>
      %dma_wait3A_655 = arith.constant 0 : i32
      %dma_wait3A_656 = tpu.memref_slice %arg3[%mul3A_2, %dma_wait3A_655] : memref<128x128xi32, #tpu.memory_space<hbm>> -> memref<4x128xi32, #tpu.memory_space<hbm>>
      tpu.wait_dma2 semaphore(%run_scoped3A : memref<!tpu.dma_semaphore, #tpu.memory_space<semaphore_mem>>) src(%dma_wait3A_656 : memref<4x128xi32, #tpu.memory_space<hbm>>) dst(%arg11 : memref<4x128xi32, #tpu.memory_space<vmem>>)
      tpu.yield
    }) : () -> ()
    "tpu.region"() ({
      %run_scoped3A = tpu.sem_alloc : memref<!tpu.dma_semaphore, #tpu.memory_space<semaphore_mem>>
      tpu.enqueue_dma source(%arg8 : memref<16xf32, #tpu.memory_space<hbm>>) target(%arg17 : memref<16xf32, #tpu.memory_space<vmem>>) target_semaphore(%run_scoped3A : memref<!tpu.dma_semaphore, #tpu.memory_space<semaphore_mem>>)
      tpu.wait_dma2 semaphore(%run_scoped3A : memref<!tpu.dma_semaphore, #tpu.memory_space<semaphore_mem>>) src(%arg8 : memref<16xf32, #tpu.memory_space<hbm>>) dst(%arg17 : memref<16xf32, #tpu.memory_space<vmem>>)
      tpu.yield
    }) : () -> ()
    %dma_start3A = arith.constant 0 : i32
    %dma_start3A_5 = arith.constant 0 : i32
    %dma_start3A_6 = arith.constant 0 : i32
    %dma_start3A_7 = tpu.memref_slice %arg12[%dma_start3A_5, %dma_start3A_6] : memref<512x32xf32, #tpu.memory_space<vmem>> -> memref<128x32xf32, #tpu.memory_space<vmem>>
    %dma_start3A_8 = arith.constant 0 : i32
    %dma_start3A_9 = tpu.memref_slice %arg10[%dma_start3A, %dma_start3A_8] : memref<4x128xi32, #tpu.memory_space<vmem>> -> memref<1x128xi32, #tpu.memory_space<vmem>>
    %dma_start3A_10 = tpu.memref_squeeze %dma_start3A_9 : memref<1x128xi32, #tpu.memory_space<vmem>> -> memref<128xi32, #tpu.memory_space<vmem>>
    %dma_start3A_11 = arith.constant 0 : i32
    %dma_start3A_12 = arith.constant 0 : i32
    %dma_start3A_13 = tpu.memref_slice %arg4[%dma_start3A_11, %dma_start3A_12] : memref<1000000x32xf32, #tpu.memory_space<hbm>> -> memref<1000000x32xf32, #tpu.memory_space<hbm>>
    tpu.enqueue_indirect_dma source(%dma_start3A_13 : memref<1000000x32xf32, #tpu.memory_space<hbm>>) target(%dma_start3A_7 : memref<128x32xf32, #tpu.memory_space<vmem>>) offsets(%dma_start3A_10 : memref<128xi32, #tpu.memory_space<vmem>>) semaphore(%arg18 : memref<!tpu.dma_semaphore, #tpu.memory_space<semaphore_mem>>)
    %dma_start3A_14 = arith.constant 0 : i32
    %dma_start3A_15 = arith.constant 0 : i32
    %dma_start3A_16 = arith.constant 0 : i32
    %dma_start3A_17 = tpu.memref_slice %arg13[%dma_start3A_15, %dma_start3A_16] : memref<512x32xf32, #tpu.memory_space<vmem>> -> memref<128x32xf32, #tpu.memory_space<vmem>>
    %dma_start3A_18 = arith.constant 0 : i32
    %dma_start3A_19 = tpu.memref_slice %arg11[%dma_start3A_14, %dma_start3A_18] : memref<4x128xi32, #tpu.memory_space<vmem>> -> memref<1x128xi32, #tpu.memory_space<vmem>>
    %dma_start3A_20 = tpu.memref_squeeze %dma_start3A_19 : memref<1x128xi32, #tpu.memory_space<vmem>> -> memref<128xi32, #tpu.memory_space<vmem>>
    %dma_start3A_21 = arith.constant 0 : i32
    %dma_start3A_22 = arith.constant 0 : i32
    %dma_start3A_23 = tpu.memref_slice %arg5[%dma_start3A_21, %dma_start3A_22] : memref<1000000x32xf32, #tpu.memory_space<hbm>> -> memref<1000000x32xf32, #tpu.memory_space<hbm>>
    tpu.enqueue_indirect_dma source(%dma_start3A_23 : memref<1000000x32xf32, #tpu.memory_space<hbm>>) target(%dma_start3A_17 : memref<128x32xf32, #tpu.memory_space<vmem>>) offsets(%dma_start3A_20 : memref<128xi32, #tpu.memory_space<vmem>>) semaphore(%arg18 : memref<!tpu.dma_semaphore, #tpu.memory_space<semaphore_mem>>)
    %dma_start3A_24 = arith.constant 0 : i32
    %dma_start3A_25 = arith.constant 0 : i32
    %dma_start3A_26 = tpu.memref_slice %arg14[%dma_start3A_25] : memref<512xf32, #tpu.memory_space<vmem>> -> memref<128xf32, #tpu.memory_space<vmem>>
    %dma_start3A_27 = arith.constant 0 : i32
    %dma_start3A_28 = tpu.memref_slice %arg10[%dma_start3A_24, %dma_start3A_27] : memref<4x128xi32, #tpu.memory_space<vmem>> -> memref<1x128xi32, #tpu.memory_space<vmem>>
    %dma_start3A_29 = tpu.memref_squeeze %dma_start3A_28 : memref<1x128xi32, #tpu.memory_space<vmem>> -> memref<128xi32, #tpu.memory_space<vmem>>
    %dma_start3A_30 = arith.constant 0 : i32
    %dma_start3A_31 = tpu.memref_slice %arg6[%dma_start3A_30] : memref<1000000xf32, #tpu.memory_space<hbm>> -> memref<1000000xf32, #tpu.memory_space<hbm>>
    tpu.enqueue_indirect_dma source(%dma_start3A_31 : memref<1000000xf32, #tpu.memory_space<hbm>>) target(%dma_start3A_26 : memref<128xf32, #tpu.memory_space<vmem>>) offsets(%dma_start3A_29 : memref<128xi32, #tpu.memory_space<vmem>>) semaphore(%arg18 : memref<!tpu.dma_semaphore, #tpu.memory_space<semaphore_mem>>)
    %dma_start3A_32 = arith.constant 0 : i32
    %dma_start3A_33 = arith.constant 0 : i32
    %dma_start3A_34 = tpu.memref_slice %arg15[%dma_start3A_33] : memref<512xf32, #tpu.memory_space<vmem>> -> memref<128xf32, #tpu.memory_space<vmem>>
    %dma_start3A_35 = arith.constant 0 : i32
    %dma_start3A_36 = tpu.memref_slice %arg11[%dma_start3A_32, %dma_start3A_35] : memref<4x128xi32, #tpu.memory_space<vmem>> -> memref<1x128xi32, #tpu.memory_space<vmem>>
    %dma_start3A_37 = tpu.memref_squeeze %dma_start3A_36 : memref<1x128xi32, #tpu.memory_space<vmem>> -> memref<128xi32, #tpu.memory_space<vmem>>
    %dma_start3A_38 = arith.constant 0 : i32
    %dma_start3A_39 = tpu.memref_slice %arg7[%dma_start3A_38] : memref<1000000xf32, #tpu.memory_space<hbm>> -> memref<1000000xf32, #tpu.memory_space<hbm>>
    tpu.enqueue_indirect_dma source(%dma_start3A_39 : memref<1000000xf32, #tpu.memory_space<hbm>>) target(%dma_start3A_34 : memref<128xf32, #tpu.memory_space<vmem>>) offsets(%dma_start3A_37 : memref<128xi32, #tpu.memory_space<vmem>>) semaphore(%arg18 : memref<!tpu.dma_semaphore, #tpu.memory_space<semaphore_mem>>)
    %dma_start3A_40 = arith.constant 1 : i32
    %dma_start3A_41 = arith.constant 128 : i32
    %dma_start3A_42 = arith.constant 0 : i32
    %dma_start3A_43 = tpu.memref_slice %arg12[%dma_start3A_41, %dma_start3A_42] : memref<512x32xf32, #tpu.memory_space<vmem>> -> memref<128x32xf32, #tpu.memory_space<vmem>>
    %dma_start3A_44 = arith.constant 0 : i32
    %dma_start3A_45 = tpu.memref_slice %arg10[%dma_start3A_40, %dma_start3A_44] : memref<4x128xi32, #tpu.memory_space<vmem>> -> memref<1x128xi32, #tpu.memory_space<vmem>>
    %dma_start3A_46 = tpu.memref_squeeze %dma_start3A_45 : memref<1x128xi32, #tpu.memory_space<vmem>> -> memref<128xi32, #tpu.memory_space<vmem>>
    %dma_start3A_47 = arith.constant 0 : i32
    %dma_start3A_48 = arith.constant 0 : i32
    %dma_start3A_49 = tpu.memref_slice %arg4[%dma_start3A_47, %dma_start3A_48] : memref<1000000x32xf32, #tpu.memory_space<hbm>> -> memref<1000000x32xf32, #tpu.memory_space<hbm>>
    tpu.enqueue_indirect_dma source(%dma_start3A_49 : memref<1000000x32xf32, #tpu.memory_space<hbm>>) target(%dma_start3A_43 : memref<128x32xf32, #tpu.memory_space<vmem>>) offsets(%dma_start3A_46 : memref<128xi32, #tpu.memory_space<vmem>>) semaphore(%arg18 : memref<!tpu.dma_semaphore, #tpu.memory_space<semaphore_mem>>)
    %dma_start3A_50 = arith.constant 1 : i32
    %dma_start3A_51 = arith.constant 128 : i32
    %dma_start3A_52 = arith.constant 0 : i32
    %dma_start3A_53 = tpu.memref_slice %arg13[%dma_start3A_51, %dma_start3A_52] : memref<512x32xf32, #tpu.memory_space<vmem>> -> memref<128x32xf32, #tpu.memory_space<vmem>>
    %dma_start3A_54 = arith.constant 0 : i32
    %dma_start3A_55 = tpu.memref_slice %arg11[%dma_start3A_50, %dma_start3A_54] : memref<4x128xi32, #tpu.memory_space<vmem>> -> memref<1x128xi32, #tpu.memory_space<vmem>>
    %dma_start3A_56 = tpu.memref_squeeze %dma_start3A_55 : memref<1x128xi32, #tpu.memory_space<vmem>> -> memref<128xi32, #tpu.memory_space<vmem>>
    %dma_start3A_57 = arith.constant 0 : i32
    %dma_start3A_58 = arith.constant 0 : i32
    %dma_start3A_59 = tpu.memref_slice %arg5[%dma_start3A_57, %dma_start3A_58] : memref<1000000x32xf32, #tpu.memory_space<hbm>> -> memref<1000000x32xf32, #tpu.memory_space<hbm>>
    tpu.enqueue_indirect_dma source(%dma_start3A_59 : memref<1000000x32xf32, #tpu.memory_space<hbm>>) target(%dma_start3A_53 : memref<128x32xf32, #tpu.memory_space<vmem>>) offsets(%dma_start3A_56 : memref<128xi32, #tpu.memory_space<vmem>>) semaphore(%arg18 : memref<!tpu.dma_semaphore, #tpu.memory_space<semaphore_mem>>)
    %dma_start3A_60 = arith.constant 1 : i32
    %dma_start3A_61 = arith.constant 128 : i32
    %dma_start3A_62 = tpu.memref_slice %arg14[%dma_start3A_61] : memref<512xf32, #tpu.memory_space<vmem>> -> memref<128xf32, #tpu.memory_space<vmem>>
    %dma_start3A_63 = arith.constant 0 : i32
    %dma_start3A_64 = tpu.memref_slice %arg10[%dma_start3A_60, %dma_start3A_63] : memref<4x128xi32, #tpu.memory_space<vmem>> -> memref<1x128xi32, #tpu.memory_space<vmem>>
    %dma_start3A_65 = tpu.memref_squeeze %dma_start3A_64 : memref<1x128xi32, #tpu.memory_space<vmem>> -> memref<128xi32, #tpu.memory_space<vmem>>
    %dma_start3A_66 = arith.constant 0 : i32
    %dma_start3A_67 = tpu.memref_slice %arg6[%dma_start3A_66] : memref<1000000xf32, #tpu.memory_space<hbm>> -> memref<1000000xf32, #tpu.memory_space<hbm>>
    tpu.enqueue_indirect_dma source(%dma_start3A_67 : memref<1000000xf32, #tpu.memory_space<hbm>>) target(%dma_start3A_62 : memref<128xf32, #tpu.memory_space<vmem>>) offsets(%dma_start3A_65 : memref<128xi32, #tpu.memory_space<vmem>>) semaphore(%arg18 : memref<!tpu.dma_semaphore, #tpu.memory_space<semaphore_mem>>)
    %dma_start3A_68 = arith.constant 1 : i32
    %dma_start3A_69 = arith.constant 128 : i32
    %dma_start3A_70 = tpu.memref_slice %arg15[%dma_start3A_69] : memref<512xf32, #tpu.memory_space<vmem>> -> memref<128xf32, #tpu.memory_space<vmem>>
    %dma_start3A_71 = arith.constant 0 : i32
    %dma_start3A_72 = tpu.memref_slice %arg11[%dma_start3A_68, %dma_start3A_71] : memref<4x128xi32, #tpu.memory_space<vmem>> -> memref<1x128xi32, #tpu.memory_space<vmem>>
    %dma_start3A_73 = tpu.memref_squeeze %dma_start3A_72 : memref<1x128xi32, #tpu.memory_space<vmem>> -> memref<128xi32, #tpu.memory_space<vmem>>
    %dma_start3A_74 = arith.constant 0 : i32
    %dma_start3A_75 = tpu.memref_slice %arg7[%dma_start3A_74] : memref<1000000xf32, #tpu.memory_space<hbm>> -> memref<1000000xf32, #tpu.memory_space<hbm>>
    tpu.enqueue_indirect_dma source(%dma_start3A_75 : memref<1000000xf32, #tpu.memory_space<hbm>>) target(%dma_start3A_70 : memref<128xf32, #tpu.memory_space<vmem>>) offsets(%dma_start3A_73 : memref<128xi32, #tpu.memory_space<vmem>>) semaphore(%arg18 : memref<!tpu.dma_semaphore, #tpu.memory_space<semaphore_mem>>)
    %dma_start3A_76 = arith.constant 2 : i32
    %dma_start3A_77 = arith.constant 256 : i32
    %dma_start3A_78 = arith.constant 0 : i32
    %dma_start3A_79 = tpu.memref_slice %arg12[%dma_start3A_77, %dma_start3A_78] : memref<512x32xf32, #tpu.memory_space<vmem>> -> memref<128x32xf32, #tpu.memory_space<vmem>>
    %dma_start3A_80 = arith.constant 0 : i32
    %dma_start3A_81 = tpu.memref_slice %arg10[%dma_start3A_76, %dma_start3A_80] : memref<4x128xi32, #tpu.memory_space<vmem>> -> memref<1x128xi32, #tpu.memory_space<vmem>>
    %dma_start3A_82 = tpu.memref_squeeze %dma_start3A_81 : memref<1x128xi32, #tpu.memory_space<vmem>> -> memref<128xi32, #tpu.memory_space<vmem>>
    %dma_start3A_83 = arith.constant 0 : i32
    %dma_start3A_84 = arith.constant 0 : i32
    %dma_start3A_85 = tpu.memref_slice %arg4[%dma_start3A_83, %dma_start3A_84] : memref<1000000x32xf32, #tpu.memory_space<hbm>> -> memref<1000000x32xf32, #tpu.memory_space<hbm>>
    tpu.enqueue_indirect_dma source(%dma_start3A_85 : memref<1000000x32xf32, #tpu.memory_space<hbm>>) target(%dma_start3A_79 : memref<128x32xf32, #tpu.memory_space<vmem>>) offsets(%dma_start3A_82 : memref<128xi32, #tpu.memory_space<vmem>>) semaphore(%arg18 : memref<!tpu.dma_semaphore, #tpu.memory_space<semaphore_mem>>)
    %dma_start3A_86 = arith.constant 2 : i32
    %dma_start3A_87 = arith.constant 256 : i32
    %dma_start3A_88 = arith.constant 0 : i32
    %dma_start3A_89 = tpu.memref_slice %arg13[%dma_start3A_87, %dma_start3A_88] : memref<512x32xf32, #tpu.memory_space<vmem>> -> memref<128x32xf32, #tpu.memory_space<vmem>>
    %dma_start3A_90 = arith.constant 0 : i32
    %dma_start3A_91 = tpu.memref_slice %arg11[%dma_start3A_86, %dma_start3A_90] : memref<4x128xi32, #tpu.memory_space<vmem>> -> memref<1x128xi32, #tpu.memory_space<vmem>>
    %dma_start3A_92 = tpu.memref_squeeze %dma_start3A_91 : memref<1x128xi32, #tpu.memory_space<vmem>> -> memref<128xi32, #tpu.memory_space<vmem>>
    %dma_start3A_93 = arith.constant 0 : i32
    %dma_start3A_94 = arith.constant 0 : i32
    %dma_start3A_95 = tpu.memref_slice %arg5[%dma_start3A_93, %dma_start3A_94] : memref<1000000x32xf32, #tpu.memory_space<hbm>> -> memref<1000000x32xf32, #tpu.memory_space<hbm>>
    tpu.enqueue_indirect_dma source(%dma_start3A_95 : memref<1000000x32xf32, #tpu.memory_space<hbm>>) target(%dma_start3A_89 : memref<128x32xf32, #tpu.memory_space<vmem>>) offsets(%dma_start3A_92 : memref<128xi32, #tpu.memory_space<vmem>>) semaphore(%arg18 : memref<!tpu.dma_semaphore, #tpu.memory_space<semaphore_mem>>)
    %dma_start3A_96 = arith.constant 2 : i32
    %dma_start3A_97 = arith.constant 256 : i32
    %dma_start3A_98 = tpu.memref_slice %arg14[%dma_start3A_97] : memref<512xf32, #tpu.memory_space<vmem>> -> memref<128xf32, #tpu.memory_space<vmem>>
    %dma_start3A_99 = arith.constant 0 : i32
    %dma_start3A_100 = tpu.memref_slice %arg10[%dma_start3A_96, %dma_start3A_99] : memref<4x128xi32, #tpu.memory_space<vmem>> -> memref<1x128xi32, #tpu.memory_space<vmem>>
    %dma_start3A_101 = tpu.memref_squeeze %dma_start3A_100 : memref<1x128xi32, #tpu.memory_space<vmem>> -> memref<128xi32, #tpu.memory_space<vmem>>
    %dma_start3A_102 = arith.constant 0 : i32
    %dma_start3A_103 = tpu.memref_slice %arg6[%dma_start3A_102] : memref<1000000xf32, #tpu.memory_space<hbm>> -> memref<1000000xf32, #tpu.memory_space<hbm>>
    tpu.enqueue_indirect_dma source(%dma_start3A_103 : memref<1000000xf32, #tpu.memory_space<hbm>>) target(%dma_start3A_98 : memref<128xf32, #tpu.memory_space<vmem>>) offsets(%dma_start3A_101 : memref<128xi32, #tpu.memory_space<vmem>>) semaphore(%arg18 : memref<!tpu.dma_semaphore, #tpu.memory_space<semaphore_mem>>)
    %dma_start3A_104 = arith.constant 2 : i32
    %dma_start3A_105 = arith.constant 256 : i32
    %dma_start3A_106 = tpu.memref_slice %arg15[%dma_start3A_105] : memref<512xf32, #tpu.memory_space<vmem>> -> memref<128xf32, #tpu.memory_space<vmem>>
    %dma_start3A_107 = arith.constant 0 : i32
    %dma_start3A_108 = tpu.memref_slice %arg11[%dma_start3A_104, %dma_start3A_107] : memref<4x128xi32, #tpu.memory_space<vmem>> -> memref<1x128xi32, #tpu.memory_space<vmem>>
    %dma_start3A_109 = tpu.memref_squeeze %dma_start3A_108 : memref<1x128xi32, #tpu.memory_space<vmem>> -> memref<128xi32, #tpu.memory_space<vmem>>
    %dma_start3A_110 = arith.constant 0 : i32
    %dma_start3A_111 = tpu.memref_slice %arg7[%dma_start3A_110] : memref<1000000xf32, #tpu.memory_space<hbm>> -> memref<1000000xf32, #tpu.memory_space<hbm>>
    tpu.enqueue_indirect_dma source(%dma_start3A_111 : memref<1000000xf32, #tpu.memory_space<hbm>>) target(%dma_start3A_106 : memref<128xf32, #tpu.memory_space<vmem>>) offsets(%dma_start3A_109 : memref<128xi32, #tpu.memory_space<vmem>>) semaphore(%arg18 : memref<!tpu.dma_semaphore, #tpu.memory_space<semaphore_mem>>)
    %dma_start3A_112 = arith.constant 3 : i32
    %dma_start3A_113 = arith.constant 384 : i32
    %dma_start3A_114 = arith.constant 0 : i32
    %dma_start3A_115 = tpu.memref_slice %arg12[%dma_start3A_113, %dma_start3A_114] : memref<512x32xf32, #tpu.memory_space<vmem>> -> memref<128x32xf32, #tpu.memory_space<vmem>>
    %dma_start3A_116 = arith.constant 0 : i32
    %dma_start3A_117 = tpu.memref_slice %arg10[%dma_start3A_112, %dma_start3A_116] : memref<4x128xi32, #tpu.memory_space<vmem>> -> memref<1x128xi32, #tpu.memory_space<vmem>>
    %dma_start3A_118 = tpu.memref_squeeze %dma_start3A_117 : memref<1x128xi32, #tpu.memory_space<vmem>> -> memref<128xi32, #tpu.memory_space<vmem>>
    %dma_start3A_119 = arith.constant 0 : i32
    %dma_start3A_120 = arith.constant 0 : i32
    %dma_start3A_121 = tpu.memref_slice %arg4[%dma_start3A_119, %dma_start3A_120] : memref<1000000x32xf32, #tpu.memory_space<hbm>> -> memref<1000000x32xf32, #tpu.memory_space<hbm>>
    tpu.enqueue_indirect_dma source(%dma_start3A_121 : memref<1000000x32xf32, #tpu.memory_space<hbm>>) target(%dma_start3A_115 : memref<128x32xf32, #tpu.memory_space<vmem>>) offsets(%dma_start3A_118 : memref<128xi32, #tpu.memory_space<vmem>>) semaphore(%arg18 : memref<!tpu.dma_semaphore, #tpu.memory_space<semaphore_mem>>)
    %dma_start3A_122 = arith.constant 3 : i32
    %dma_start3A_123 = arith.constant 384 : i32
    %dma_start3A_124 = arith.constant 0 : i32
    %dma_start3A_125 = tpu.memref_slice %arg13[%dma_start3A_123, %dma_start3A_124] : memref<512x32xf32, #tpu.memory_space<vmem>> -> memref<128x32xf32, #tpu.memory_space<vmem>>
    %dma_start3A_126 = arith.constant 0 : i32
    %dma_start3A_127 = tpu.memref_slice %arg11[%dma_start3A_122, %dma_start3A_126] : memref<4x128xi32, #tpu.memory_space<vmem>> -> memref<1x128xi32, #tpu.memory_space<vmem>>
    %dma_start3A_128 = tpu.memref_squeeze %dma_start3A_127 : memref<1x128xi32, #tpu.memory_space<vmem>> -> memref<128xi32, #tpu.memory_space<vmem>>
    %dma_start3A_129 = arith.constant 0 : i32
    %dma_start3A_130 = arith.constant 0 : i32
    %dma_start3A_131 = tpu.memref_slice %arg5[%dma_start3A_129, %dma_start3A_130] : memref<1000000x32xf32, #tpu.memory_space<hbm>> -> memref<1000000x32xf32, #tpu.memory_space<hbm>>
    tpu.enqueue_indirect_dma source(%dma_start3A_131 : memref<1000000x32xf32, #tpu.memory_space<hbm>>) target(%dma_start3A_125 : memref<128x32xf32, #tpu.memory_space<vmem>>) offsets(%dma_start3A_128 : memref<128xi32, #tpu.memory_space<vmem>>) semaphore(%arg18 : memref<!tpu.dma_semaphore, #tpu.memory_space<semaphore_mem>>)
    %dma_start3A_132 = arith.constant 3 : i32
    %dma_start3A_133 = arith.constant 384 : i32
    %dma_start3A_134 = tpu.memref_slice %arg14[%dma_start3A_133] : memref<512xf32, #tpu.memory_space<vmem>> -> memref<128xf32, #tpu.memory_space<vmem>>
    %dma_start3A_135 = arith.constant 0 : i32
    %dma_start3A_136 = tpu.memref_slice %arg10[%dma_start3A_132, %dma_start3A_135] : memref<4x128xi32, #tpu.memory_space<vmem>> -> memref<1x128xi32, #tpu.memory_space<vmem>>
    %dma_start3A_137 = tpu.memref_squeeze %dma_start3A_136 : memref<1x128xi32, #tpu.memory_space<vmem>> -> memref<128xi32, #tpu.memory_space<vmem>>
    %dma_start3A_138 = arith.constant 0 : i32
    %dma_start3A_139 = tpu.memref_slice %arg6[%dma_start3A_138] : memref<1000000xf32, #tpu.memory_space<hbm>> -> memref<1000000xf32, #tpu.memory_space<hbm>>
    tpu.enqueue_indirect_dma source(%dma_start3A_139 : memref<1000000xf32, #tpu.memory_space<hbm>>) target(%dma_start3A_134 : memref<128xf32, #tpu.memory_space<vmem>>) offsets(%dma_start3A_137 : memref<128xi32, #tpu.memory_space<vmem>>) semaphore(%arg18 : memref<!tpu.dma_semaphore, #tpu.memory_space<semaphore_mem>>)
    %dma_start3A_140 = arith.constant 3 : i32
    %dma_start3A_141 = arith.constant 384 : i32
    %dma_start3A_142 = tpu.memref_slice %arg15[%dma_start3A_141] : memref<512xf32, #tpu.memory_space<vmem>> -> memref<128xf32, #tpu.memory_space<vmem>>
    %dma_start3A_143 = arith.constant 0 : i32
    %dma_start3A_144 = tpu.memref_slice %arg11[%dma_start3A_140, %dma_start3A_143] : memref<4x128xi32, #tpu.memory_space<vmem>> -> memref<1x128xi32, #tpu.memory_space<vmem>>
    %dma_start3A_145 = tpu.memref_squeeze %dma_start3A_144 : memref<1x128xi32, #tpu.memory_space<vmem>> -> memref<128xi32, #tpu.memory_space<vmem>>
    %dma_start3A_146 = arith.constant 0 : i32
    %dma_start3A_147 = tpu.memref_slice %arg7[%dma_start3A_146] : memref<1000000xf32, #tpu.memory_space<hbm>> -> memref<1000000xf32, #tpu.memory_space<hbm>>
    tpu.enqueue_indirect_dma source(%dma_start3A_147 : memref<1000000xf32, #tpu.memory_space<hbm>>) target(%dma_start3A_142 : memref<128xf32, #tpu.memory_space<vmem>>) offsets(%dma_start3A_145 : memref<128xi32, #tpu.memory_space<vmem>>) semaphore(%arg18 : memref<!tpu.dma_semaphore, #tpu.memory_space<semaphore_mem>>)
    %dma_wait3A = arith.constant 0 : i32
    %dma_wait3A_148 = arith.constant 0 : i32
    %dma_wait3A_149 = arith.constant 0 : i32
    %dma_wait3A_150 = tpu.memref_slice %arg12[%dma_wait3A_148, %dma_wait3A_149] : memref<512x32xf32, #tpu.memory_space<vmem>> -> memref<128x32xf32, #tpu.memory_space<vmem>>
    %dma_wait3A_151 = arith.constant 0 : i32
    %dma_wait3A_152 = tpu.memref_slice %arg10[%dma_wait3A, %dma_wait3A_151] : memref<4x128xi32, #tpu.memory_space<vmem>> -> memref<1x128xi32, #tpu.memory_space<vmem>>
    %dma_wait3A_153 = tpu.memref_squeeze %dma_wait3A_152 : memref<1x128xi32, #tpu.memory_space<vmem>> -> memref<128xi32, #tpu.memory_space<vmem>>
    %dma_wait3A_154 = arith.constant 0 : i32
    %dma_wait3A_155 = arith.constant 0 : i32
    %dma_wait3A_156 = tpu.memref_slice %arg4[%dma_wait3A_154, %dma_wait3A_155] : memref<1000000x32xf32, #tpu.memory_space<hbm>> -> memref<1000000x32xf32, #tpu.memory_space<hbm>>
    tpu.wait_indirect_dma semaphore(%arg18 : memref<!tpu.dma_semaphore, #tpu.memory_space<semaphore_mem>>) src(%dma_wait3A_156 : memref<1000000x32xf32, #tpu.memory_space<hbm>>) dst(%dma_wait3A_150 : memref<128x32xf32, #tpu.memory_space<vmem>>)
    %dma_wait3A_157 = arith.constant 0 : i32
    %dma_wait3A_158 = arith.constant 0 : i32
    %dma_wait3A_159 = arith.constant 0 : i32
    %dma_wait3A_160 = tpu.memref_slice %arg13[%dma_wait3A_158, %dma_wait3A_159] : memref<512x32xf32, #tpu.memory_space<vmem>> -> memref<128x32xf32, #tpu.memory_space<vmem>>
    %dma_wait3A_161 = arith.constant 0 : i32
    %dma_wait3A_162 = tpu.memref_slice %arg11[%dma_wait3A_157, %dma_wait3A_161] : memref<4x128xi32, #tpu.memory_space<vmem>> -> memref<1x128xi32, #tpu.memory_space<vmem>>
    %dma_wait3A_163 = tpu.memref_squeeze %dma_wait3A_162 : memref<1x128xi32, #tpu.memory_space<vmem>> -> memref<128xi32, #tpu.memory_space<vmem>>
    %dma_wait3A_164 = arith.constant 0 : i32
    %dma_wait3A_165 = arith.constant 0 : i32
    %dma_wait3A_166 = tpu.memref_slice %arg5[%dma_wait3A_164, %dma_wait3A_165] : memref<1000000x32xf32, #tpu.memory_space<hbm>> -> memref<1000000x32xf32, #tpu.memory_space<hbm>>
    tpu.wait_indirect_dma semaphore(%arg18 : memref<!tpu.dma_semaphore, #tpu.memory_space<semaphore_mem>>) src(%dma_wait3A_166 : memref<1000000x32xf32, #tpu.memory_space<hbm>>) dst(%dma_wait3A_160 : memref<128x32xf32, #tpu.memory_space<vmem>>)
    %dma_wait3A_167 = arith.constant 0 : i32
    %dma_wait3A_168 = arith.constant 0 : i32
    %dma_wait3A_169 = tpu.memref_slice %arg14[%dma_wait3A_168] : memref<512xf32, #tpu.memory_space<vmem>> -> memref<128xf32, #tpu.memory_space<vmem>>
    %dma_wait3A_170 = arith.constant 0 : i32
    %dma_wait3A_171 = tpu.memref_slice %arg10[%dma_wait3A_167, %dma_wait3A_170] : memref<4x128xi32, #tpu.memory_space<vmem>> -> memref<1x128xi32, #tpu.memory_space<vmem>>
    %dma_wait3A_172 = tpu.memref_squeeze %dma_wait3A_171 : memref<1x128xi32, #tpu.memory_space<vmem>> -> memref<128xi32, #tpu.memory_space<vmem>>
    %dma_wait3A_173 = arith.constant 0 : i32
    %dma_wait3A_174 = tpu.memref_slice %arg6[%dma_wait3A_173] : memref<1000000xf32, #tpu.memory_space<hbm>> -> memref<1000000xf32, #tpu.memory_space<hbm>>
    tpu.wait_indirect_dma semaphore(%arg18 : memref<!tpu.dma_semaphore, #tpu.memory_space<semaphore_mem>>) src(%dma_wait3A_174 : memref<1000000xf32, #tpu.memory_space<hbm>>) dst(%dma_wait3A_169 : memref<128xf32, #tpu.memory_space<vmem>>)
    %dma_wait3A_175 = arith.constant 0 : i32
    %dma_wait3A_176 = arith.constant 0 : i32
    %dma_wait3A_177 = tpu.memref_slice %arg15[%dma_wait3A_176] : memref<512xf32, #tpu.memory_space<vmem>> -> memref<128xf32, #tpu.memory_space<vmem>>
    %dma_wait3A_178 = arith.constant 0 : i32
    %dma_wait3A_179 = tpu.memref_slice %arg11[%dma_wait3A_175, %dma_wait3A_178] : memref<4x128xi32, #tpu.memory_space<vmem>> -> memref<1x128xi32, #tpu.memory_space<vmem>>
    %dma_wait3A_180 = tpu.memref_squeeze %dma_wait3A_179 : memref<1x128xi32, #tpu.memory_space<vmem>> -> memref<128xi32, #tpu.memory_space<vmem>>
    %dma_wait3A_181 = arith.constant 0 : i32
    %dma_wait3A_182 = tpu.memref_slice %arg7[%dma_wait3A_181] : memref<1000000xf32, #tpu.memory_space<hbm>> -> memref<1000000xf32, #tpu.memory_space<hbm>>
    tpu.wait_indirect_dma semaphore(%arg18 : memref<!tpu.dma_semaphore, #tpu.memory_space<semaphore_mem>>) src(%dma_wait3A_182 : memref<1000000xf32, #tpu.memory_space<hbm>>) dst(%dma_wait3A_177 : memref<128xf32, #tpu.memory_space<vmem>>)
    %dma_wait3A_183 = arith.constant 1 : i32
    %dma_wait3A_184 = arith.constant 128 : i32
    %dma_wait3A_185 = arith.constant 0 : i32
    %dma_wait3A_186 = tpu.memref_slice %arg12[%dma_wait3A_184, %dma_wait3A_185] : memref<512x32xf32, #tpu.memory_space<vmem>> -> memref<128x32xf32, #tpu.memory_space<vmem>>
    %dma_wait3A_187 = arith.constant 0 : i32
    %dma_wait3A_188 = tpu.memref_slice %arg10[%dma_wait3A_183, %dma_wait3A_187] : memref<4x128xi32, #tpu.memory_space<vmem>> -> memref<1x128xi32, #tpu.memory_space<vmem>>
    %dma_wait3A_189 = tpu.memref_squeeze %dma_wait3A_188 : memref<1x128xi32, #tpu.memory_space<vmem>> -> memref<128xi32, #tpu.memory_space<vmem>>
    %dma_wait3A_190 = arith.constant 0 : i32
    %dma_wait3A_191 = arith.constant 0 : i32
    %dma_wait3A_192 = tpu.memref_slice %arg4[%dma_wait3A_190, %dma_wait3A_191] : memref<1000000x32xf32, #tpu.memory_space<hbm>> -> memref<1000000x32xf32, #tpu.memory_space<hbm>>
    tpu.wait_indirect_dma semaphore(%arg18 : memref<!tpu.dma_semaphore, #tpu.memory_space<semaphore_mem>>) src(%dma_wait3A_192 : memref<1000000x32xf32, #tpu.memory_space<hbm>>) dst(%dma_wait3A_186 : memref<128x32xf32, #tpu.memory_space<vmem>>)
    %dma_wait3A_193 = arith.constant 1 : i32
    %dma_wait3A_194 = arith.constant 128 : i32
    %dma_wait3A_195 = arith.constant 0 : i32
    %dma_wait3A_196 = tpu.memref_slice %arg13[%dma_wait3A_194, %dma_wait3A_195] : memref<512x32xf32, #tpu.memory_space<vmem>> -> memref<128x32xf32, #tpu.memory_space<vmem>>
    %dma_wait3A_197 = arith.constant 0 : i32
    %dma_wait3A_198 = tpu.memref_slice %arg11[%dma_wait3A_193, %dma_wait3A_197] : memref<4x128xi32, #tpu.memory_space<vmem>> -> memref<1x128xi32, #tpu.memory_space<vmem>>
    %dma_wait3A_199 = tpu.memref_squeeze %dma_wait3A_198 : memref<1x128xi32, #tpu.memory_space<vmem>> -> memref<128xi32, #tpu.memory_space<vmem>>
    %dma_wait3A_200 = arith.constant 0 : i32
    %dma_wait3A_201 = arith.constant 0 : i32
    %dma_wait3A_202 = tpu.memref_slice %arg5[%dma_wait3A_200, %dma_wait3A_201] : memref<1000000x32xf32, #tpu.memory_space<hbm>> -> memref<1000000x32xf32, #tpu.memory_space<hbm>>
    tpu.wait_indirect_dma semaphore(%arg18 : memref<!tpu.dma_semaphore, #tpu.memory_space<semaphore_mem>>) src(%dma_wait3A_202 : memref<1000000x32xf32, #tpu.memory_space<hbm>>) dst(%dma_wait3A_196 : memref<128x32xf32, #tpu.memory_space<vmem>>)
    %dma_wait3A_203 = arith.constant 1 : i32
    %dma_wait3A_204 = arith.constant 128 : i32
    %dma_wait3A_205 = tpu.memref_slice %arg14[%dma_wait3A_204] : memref<512xf32, #tpu.memory_space<vmem>> -> memref<128xf32, #tpu.memory_space<vmem>>
    %dma_wait3A_206 = arith.constant 0 : i32
    %dma_wait3A_207 = tpu.memref_slice %arg10[%dma_wait3A_203, %dma_wait3A_206] : memref<4x128xi32, #tpu.memory_space<vmem>> -> memref<1x128xi32, #tpu.memory_space<vmem>>
    %dma_wait3A_208 = tpu.memref_squeeze %dma_wait3A_207 : memref<1x128xi32, #tpu.memory_space<vmem>> -> memref<128xi32, #tpu.memory_space<vmem>>
    %dma_wait3A_209 = arith.constant 0 : i32
    %dma_wait3A_210 = tpu.memref_slice %arg6[%dma_wait3A_209] : memref<1000000xf32, #tpu.memory_space<hbm>> -> memref<1000000xf32, #tpu.memory_space<hbm>>
    tpu.wait_indirect_dma semaphore(%arg18 : memref<!tpu.dma_semaphore, #tpu.memory_space<semaphore_mem>>) src(%dma_wait3A_210 : memref<1000000xf32, #tpu.memory_space<hbm>>) dst(%dma_wait3A_205 : memref<128xf32, #tpu.memory_space<vmem>>)
    %dma_wait3A_211 = arith.constant 1 : i32
    %dma_wait3A_212 = arith.constant 128 : i32
    %dma_wait3A_213 = tpu.memref_slice %arg15[%dma_wait3A_212] : memref<512xf32, #tpu.memory_space<vmem>> -> memref<128xf32, #tpu.memory_space<vmem>>
    %dma_wait3A_214 = arith.constant 0 : i32
    %dma_wait3A_215 = tpu.memref_slice %arg11[%dma_wait3A_211, %dma_wait3A_214] : memref<4x128xi32, #tpu.memory_space<vmem>> -> memref<1x128xi32, #tpu.memory_space<vmem>>
    %dma_wait3A_216 = tpu.memref_squeeze %dma_wait3A_215 : memref<1x128xi32, #tpu.memory_space<vmem>> -> memref<128xi32, #tpu.memory_space<vmem>>
    %dma_wait3A_217 = arith.constant 0 : i32
    %dma_wait3A_218 = tpu.memref_slice %arg7[%dma_wait3A_217] : memref<1000000xf32, #tpu.memory_space<hbm>> -> memref<1000000xf32, #tpu.memory_space<hbm>>
    tpu.wait_indirect_dma semaphore(%arg18 : memref<!tpu.dma_semaphore, #tpu.memory_space<semaphore_mem>>) src(%dma_wait3A_218 : memref<1000000xf32, #tpu.memory_space<hbm>>) dst(%dma_wait3A_213 : memref<128xf32, #tpu.memory_space<vmem>>)
    %dma_wait3A_219 = arith.constant 2 : i32
    %dma_wait3A_220 = arith.constant 256 : i32
    %dma_wait3A_221 = arith.constant 0 : i32
    %dma_wait3A_222 = tpu.memref_slice %arg12[%dma_wait3A_220, %dma_wait3A_221] : memref<512x32xf32, #tpu.memory_space<vmem>> -> memref<128x32xf32, #tpu.memory_space<vmem>>
    %dma_wait3A_223 = arith.constant 0 : i32
    %dma_wait3A_224 = tpu.memref_slice %arg10[%dma_wait3A_219, %dma_wait3A_223] : memref<4x128xi32, #tpu.memory_space<vmem>> -> memref<1x128xi32, #tpu.memory_space<vmem>>
    %dma_wait3A_225 = tpu.memref_squeeze %dma_wait3A_224 : memref<1x128xi32, #tpu.memory_space<vmem>> -> memref<128xi32, #tpu.memory_space<vmem>>
    %dma_wait3A_226 = arith.constant 0 : i32
    %dma_wait3A_227 = arith.constant 0 : i32
    %dma_wait3A_228 = tpu.memref_slice %arg4[%dma_wait3A_226, %dma_wait3A_227] : memref<1000000x32xf32, #tpu.memory_space<hbm>> -> memref<1000000x32xf32, #tpu.memory_space<hbm>>
    tpu.wait_indirect_dma semaphore(%arg18 : memref<!tpu.dma_semaphore, #tpu.memory_space<semaphore_mem>>) src(%dma_wait3A_228 : memref<1000000x32xf32, #tpu.memory_space<hbm>>) dst(%dma_wait3A_222 : memref<128x32xf32, #tpu.memory_space<vmem>>)
    %dma_wait3A_229 = arith.constant 2 : i32
    %dma_wait3A_230 = arith.constant 256 : i32
    %dma_wait3A_231 = arith.constant 0 : i32
    %dma_wait3A_232 = tpu.memref_slice %arg13[%dma_wait3A_230, %dma_wait3A_231] : memref<512x32xf32, #tpu.memory_space<vmem>> -> memref<128x32xf32, #tpu.memory_space<vmem>>
    %dma_wait3A_233 = arith.constant 0 : i32
    %dma_wait3A_234 = tpu.memref_slice %arg11[%dma_wait3A_229, %dma_wait3A_233] : memref<4x128xi32, #tpu.memory_space<vmem>> -> memref<1x128xi32, #tpu.memory_space<vmem>>
    %dma_wait3A_235 = tpu.memref_squeeze %dma_wait3A_234 : memref<1x128xi32, #tpu.memory_space<vmem>> -> memref<128xi32, #tpu.memory_space<vmem>>
    %dma_wait3A_236 = arith.constant 0 : i32
    %dma_wait3A_237 = arith.constant 0 : i32
    %dma_wait3A_238 = tpu.memref_slice %arg5[%dma_wait3A_236, %dma_wait3A_237] : memref<1000000x32xf32, #tpu.memory_space<hbm>> -> memref<1000000x32xf32, #tpu.memory_space<hbm>>
    tpu.wait_indirect_dma semaphore(%arg18 : memref<!tpu.dma_semaphore, #tpu.memory_space<semaphore_mem>>) src(%dma_wait3A_238 : memref<1000000x32xf32, #tpu.memory_space<hbm>>) dst(%dma_wait3A_232 : memref<128x32xf32, #tpu.memory_space<vmem>>)
    %dma_wait3A_239 = arith.constant 2 : i32
    %dma_wait3A_240 = arith.constant 256 : i32
    %dma_wait3A_241 = tpu.memref_slice %arg14[%dma_wait3A_240] : memref<512xf32, #tpu.memory_space<vmem>> -> memref<128xf32, #tpu.memory_space<vmem>>
    %dma_wait3A_242 = arith.constant 0 : i32
    %dma_wait3A_243 = tpu.memref_slice %arg10[%dma_wait3A_239, %dma_wait3A_242] : memref<4x128xi32, #tpu.memory_space<vmem>> -> memref<1x128xi32, #tpu.memory_space<vmem>>
    %dma_wait3A_244 = tpu.memref_squeeze %dma_wait3A_243 : memref<1x128xi32, #tpu.memory_space<vmem>> -> memref<128xi32, #tpu.memory_space<vmem>>
    %dma_wait3A_245 = arith.constant 0 : i32
    %dma_wait3A_246 = tpu.memref_slice %arg6[%dma_wait3A_245] : memref<1000000xf32, #tpu.memory_space<hbm>> -> memref<1000000xf32, #tpu.memory_space<hbm>>
    tpu.wait_indirect_dma semaphore(%arg18 : memref<!tpu.dma_semaphore, #tpu.memory_space<semaphore_mem>>) src(%dma_wait3A_246 : memref<1000000xf32, #tpu.memory_space<hbm>>) dst(%dma_wait3A_241 : memref<128xf32, #tpu.memory_space<vmem>>)
    %dma_wait3A_247 = arith.constant 2 : i32
    %dma_wait3A_248 = arith.constant 256 : i32
    %dma_wait3A_249 = tpu.memref_slice %arg15[%dma_wait3A_248] : memref<512xf32, #tpu.memory_space<vmem>> -> memref<128xf32, #tpu.memory_space<vmem>>
    %dma_wait3A_250 = arith.constant 0 : i32
    %dma_wait3A_251 = tpu.memref_slice %arg11[%dma_wait3A_247, %dma_wait3A_250] : memref<4x128xi32, #tpu.memory_space<vmem>> -> memref<1x128xi32, #tpu.memory_space<vmem>>
    %dma_wait3A_252 = tpu.memref_squeeze %dma_wait3A_251 : memref<1x128xi32, #tpu.memory_space<vmem>> -> memref<128xi32, #tpu.memory_space<vmem>>
    %dma_wait3A_253 = arith.constant 0 : i32
    %dma_wait3A_254 = tpu.memref_slice %arg7[%dma_wait3A_253] : memref<1000000xf32, #tpu.memory_space<hbm>> -> memref<1000000xf32, #tpu.memory_space<hbm>>
    tpu.wait_indirect_dma semaphore(%arg18 : memref<!tpu.dma_semaphore, #tpu.memory_space<semaphore_mem>>) src(%dma_wait3A_254 : memref<1000000xf32, #tpu.memory_space<hbm>>) dst(%dma_wait3A_249 : memref<128xf32, #tpu.memory_space<vmem>>)
    %dma_wait3A_255 = arith.constant 3 : i32
    %dma_wait3A_256 = arith.constant 384 : i32
    %dma_wait3A_257 = arith.constant 0 : i32
    %dma_wait3A_258 = tpu.memref_slice %arg12[%dma_wait3A_256, %dma_wait3A_257] : memref<512x32xf32, #tpu.memory_space<vmem>> -> memref<128x32xf32, #tpu.memory_space<vmem>>
    %dma_wait3A_259 = arith.constant 0 : i32
    %dma_wait3A_260 = tpu.memref_slice %arg10[%dma_wait3A_255, %dma_wait3A_259] : memref<4x128xi32, #tpu.memory_space<vmem>> -> memref<1x128xi32, #tpu.memory_space<vmem>>
    %dma_wait3A_261 = tpu.memref_squeeze %dma_wait3A_260 : memref<1x128xi32, #tpu.memory_space<vmem>> -> memref<128xi32, #tpu.memory_space<vmem>>
    %dma_wait3A_262 = arith.constant 0 : i32
    %dma_wait3A_263 = arith.constant 0 : i32
    %dma_wait3A_264 = tpu.memref_slice %arg4[%dma_wait3A_262, %dma_wait3A_263] : memref<1000000x32xf32, #tpu.memory_space<hbm>> -> memref<1000000x32xf32, #tpu.memory_space<hbm>>
    tpu.wait_indirect_dma semaphore(%arg18 : memref<!tpu.dma_semaphore, #tpu.memory_space<semaphore_mem>>) src(%dma_wait3A_264 : memref<1000000x32xf32, #tpu.memory_space<hbm>>) dst(%dma_wait3A_258 : memref<128x32xf32, #tpu.memory_space<vmem>>)
    %dma_wait3A_265 = arith.constant 3 : i32
    %dma_wait3A_266 = arith.constant 384 : i32
    %dma_wait3A_267 = arith.constant 0 : i32
    %dma_wait3A_268 = tpu.memref_slice %arg13[%dma_wait3A_266, %dma_wait3A_267] : memref<512x32xf32, #tpu.memory_space<vmem>> -> memref<128x32xf32, #tpu.memory_space<vmem>>
    %dma_wait3A_269 = arith.constant 0 : i32
    %dma_wait3A_270 = tpu.memref_slice %arg11[%dma_wait3A_265, %dma_wait3A_269] : memref<4x128xi32, #tpu.memory_space<vmem>> -> memref<1x128xi32, #tpu.memory_space<vmem>>
    %dma_wait3A_271 = tpu.memref_squeeze %dma_wait3A_270 : memref<1x128xi32, #tpu.memory_space<vmem>> -> memref<128xi32, #tpu.memory_space<vmem>>
    %dma_wait3A_272 = arith.constant 0 : i32
    %dma_wait3A_273 = arith.constant 0 : i32
    %dma_wait3A_274 = tpu.memref_slice %arg5[%dma_wait3A_272, %dma_wait3A_273] : memref<1000000x32xf32, #tpu.memory_space<hbm>> -> memref<1000000x32xf32, #tpu.memory_space<hbm>>
    tpu.wait_indirect_dma semaphore(%arg18 : memref<!tpu.dma_semaphore, #tpu.memory_space<semaphore_mem>>) src(%dma_wait3A_274 : memref<1000000x32xf32, #tpu.memory_space<hbm>>) dst(%dma_wait3A_268 : memref<128x32xf32, #tpu.memory_space<vmem>>)
    %dma_wait3A_275 = arith.constant 3 : i32
    %dma_wait3A_276 = arith.constant 384 : i32
    %dma_wait3A_277 = tpu.memref_slice %arg14[%dma_wait3A_276] : memref<512xf32, #tpu.memory_space<vmem>> -> memref<128xf32, #tpu.memory_space<vmem>>
    %dma_wait3A_278 = arith.constant 0 : i32
    %dma_wait3A_279 = tpu.memref_slice %arg10[%dma_wait3A_275, %dma_wait3A_278] : memref<4x128xi32, #tpu.memory_space<vmem>> -> memref<1x128xi32, #tpu.memory_space<vmem>>
    %dma_wait3A_280 = tpu.memref_squeeze %dma_wait3A_279 : memref<1x128xi32, #tpu.memory_space<vmem>> -> memref<128xi32, #tpu.memory_space<vmem>>
    %dma_wait3A_281 = arith.constant 0 : i32
    %dma_wait3A_282 = tpu.memref_slice %arg6[%dma_wait3A_281] : memref<1000000xf32, #tpu.memory_space<hbm>> -> memref<1000000xf32, #tpu.memory_space<hbm>>
    tpu.wait_indirect_dma semaphore(%arg18 : memref<!tpu.dma_semaphore, #tpu.memory_space<semaphore_mem>>) src(%dma_wait3A_282 : memref<1000000xf32, #tpu.memory_space<hbm>>) dst(%dma_wait3A_277 : memref<128xf32, #tpu.memory_space<vmem>>)
    %dma_wait3A_283 = arith.constant 3 : i32
    %dma_wait3A_284 = arith.constant 384 : i32
    %dma_wait3A_285 = tpu.memref_slice %arg15[%dma_wait3A_284] : memref<512xf32, #tpu.memory_space<vmem>> -> memref<128xf32, #tpu.memory_space<vmem>>
    %dma_wait3A_286 = arith.constant 0 : i32
    %dma_wait3A_287 = tpu.memref_slice %arg11[%dma_wait3A_283, %dma_wait3A_286] : memref<4x128xi32, #tpu.memory_space<vmem>> -> memref<1x128xi32, #tpu.memory_space<vmem>>
    %dma_wait3A_288 = tpu.memref_squeeze %dma_wait3A_287 : memref<1x128xi32, #tpu.memory_space<vmem>> -> memref<128xi32, #tpu.memory_space<vmem>>
    %dma_wait3A_289 = arith.constant 0 : i32
    %dma_wait3A_290 = tpu.memref_slice %arg7[%dma_wait3A_289] : memref<1000000xf32, #tpu.memory_space<hbm>> -> memref<1000000xf32, #tpu.memory_space<hbm>>
    tpu.wait_indirect_dma semaphore(%arg18 : memref<!tpu.dma_semaphore, #tpu.memory_space<semaphore_mem>>) src(%dma_wait3A_290 : memref<1000000xf32, #tpu.memory_space<hbm>>) dst(%dma_wait3A_285 : memref<128xf32, #tpu.memory_space<vmem>>)
    %iota3A = tpu.iota {dimensions = array<i32: 0>} : vector<16xi32>
    %broadcast_in_dim3A = arith.constant 0.000000e+00 : f32
    %broadcast_in_dim3A_291 = vector.broadcast %broadcast_in_dim3A : f32 to vector<16xf32>
    %get3A = arith.constant 0 : index
    %get3A_292 = tpu.vector_load %arg17[%get3A] {strides = array<i32>} : memref<16xf32, #tpu.memory_space<vmem>>, vector<16xf32>,
    %scan3A = arith.constant 0 : i32
    %scan3A_293 = arith.constant 0 : i32
    %scan3A_294 = arith.constant 32 : i32
    %scan3A_295 = arith.addi %scan3A_293, %scan3A_294 : i32
    %scan3A_296 = arith.constant 1 : i32
    scf.for %scan3A_649 = %scan3A_293 to %scan3A_295 step %scan3A_296  : i32 {
      %mul3A_650 = arith.constant 16 : i32
      %mul3A_651 = arith.muli %scan3A_649, %mul3A_650 : i32
      %add3A_652 = arith.constant 0 : i32
      %add3A_653 = arith.addi %mul3A_651, %add3A_652 : i32
      %get3A_654 = arith.index_cast %add3A_653 : i32 to index
      %get3A_655 = arith.constant 0 : index
      %get3A_656 = tpu.vector_load %arg12[%get3A_654, %get3A_655] {strides = array<i32>} : memref<512x32xf32, #tpu.memory_space<vmem>>, vector<16xf32>,
      %add3A_657 = arith.constant 0 : i32
      %add3A_658 = arith.addi %mul3A_651, %add3A_657 : i32
      %get3A_659 = arith.index_cast %add3A_658 : i32 to index
      %get3A_660 = arith.constant 16 : index
      %get3A_661 = tpu.vector_load %arg12[%get3A_659, %get3A_660] {strides = array<i32>} : memref<512x32xf32, #tpu.memory_space<vmem>>, vector<16xf32>,
      %add3A_662 = arith.constant 0 : i32
      %add3A_663 = arith.addi %mul3A_651, %add3A_662 : i32
      %get3A_664 = arith.index_cast %add3A_663 : i32 to index
      %get3A_665 = arith.constant 0 : index
      %get3A_666 = tpu.vector_load %arg13[%get3A_664, %get3A_665] {strides = array<i32>} : memref<512x32xf32, #tpu.memory_space<vmem>>, vector<16xf32>,
      %add3A_667 = arith.constant 0 : i32
      %add3A_668 = arith.addi %mul3A_651, %add3A_667 : i32
      %get3A_669 = arith.index_cast %add3A_668 : i32 to index
      %get3A_670 = arith.constant 16 : index
      %get3A_671 = tpu.vector_load %arg13[%get3A_669, %get3A_670] {strides = array<i32>} : memref<512x32xf32, #tpu.memory_space<vmem>>, vector<16xf32>,
      %mul3A_672 = arith.mulf %get3A_656, %get3A_666 : vector<16xf32>
      %mul3A_673 = arith.mulf %get3A_661, %get3A_671 : vector<16xf32>
      %add3A_674 = arith.addf %mul3A_672, %mul3A_673 : vector<16xf32>
      %eq3A = arith.constant 0 : i32
      %eq3A_675 = vector.broadcast %eq3A : i32 to vector<16xi32>
      %eq3A_676 = arith.cmpi eq, %iota3A, %eq3A_675 : vector<16xi32>
      %reduce_sum3A = arith.constant true
      %reduce_sum3A_677 = vector.broadcast %reduce_sum3A : i1 to vector<16xi1>
      %reduce_sum3A_678 = tpu.scan <sum>, %add3A_674 masked %reduce_sum3A_677 : vector<16xf32>, vector<16xi1> -> vector<16xf32>
      %reduce_sum3A_679 = vector.extract %reduce_sum3A_678[15] : f32 from vector<16xf32>
      %broadcast_in_dim3A_680 = vector.broadcast %reduce_sum3A_679 : f32 to vector<16xf32>
      %select_n3A = arith.select %eq3A_676, %broadcast_in_dim3A_680, %broadcast_in_dim3A_291 : vector<16xi1>, vector<16xf32>
      %add3A_681 = arith.constant 1 : i32
      %add3A_682 = arith.addi %mul3A_651, %add3A_681 : i32
      %get3A_683 = arith.index_cast %add3A_682 : i32 to index
      %get3A_684 = arith.constant 0 : index
      %get3A_685 = tpu.vector_load %arg12[%get3A_683, %get3A_684] {strides = array<i32>} : memref<512x32xf32, #tpu.memory_space<vmem>>, vector<16xf32>,
      %add3A_686 = arith.constant 1 : i32
      %add3A_687 = arith.addi %mul3A_651, %add3A_686 : i32
      %get3A_688 = arith.index_cast %add3A_687 : i32 to index
      %get3A_689 = arith.constant 16 : index
      %get3A_690 = tpu.vector_load %arg12[%get3A_688, %get3A_689] {strides = array<i32>} : memref<512x32xf32, #tpu.memory_space<vmem>>, vector<16xf32>,
      %add3A_691 = arith.constant 1 : i32
      %add3A_692 = arith.addi %mul3A_651, %add3A_691 : i32
      %get3A_693 = arith.index_cast %add3A_692 : i32 to index
      %get3A_694 = arith.constant 0 : index
      %get3A_695 = tpu.vector_load %arg13[%get3A_693, %get3A_694] {strides = array<i32>} : memref<512x32xf32, #tpu.memory_space<vmem>>, vector<16xf32>,
      %add3A_696 = arith.constant 1 : i32
      %add3A_697 = arith.addi %mul3A_651, %add3A_696 : i32
      %get3A_698 = arith.index_cast %add3A_697 : i32 to index
      %get3A_699 = arith.constant 16 : index
      %get3A_700 = tpu.vector_load %arg13[%get3A_698, %get3A_699] {strides = array<i32>} : memref<512x32xf32, #tpu.memory_space<vmem>>, vector<16xf32>,
      %mul3A_701 = arith.mulf %get3A_685, %get3A_695 : vector<16xf32>
      %mul3A_702 = arith.mulf %get3A_690, %get3A_700 : vector<16xf32>
      %add3A_703 = arith.addf %mul3A_701, %mul3A_702 : vector<16xf32>
      %eq3A_704 = arith.constant 1 : i32
      %eq3A_705 = vector.broadcast %eq3A_704 : i32 to vector<16xi32>
      %eq3A_706 = arith.cmpi eq, %iota3A, %eq3A_705 : vector<16xi32>
      %reduce_sum3A_707 = arith.constant true
      %reduce_sum3A_708 = vector.broadcast %reduce_sum3A_707 : i1 to vector<16xi1>
      %reduce_sum3A_709 = tpu.scan <sum>, %add3A_703 masked %reduce_sum3A_708 : vector<16xf32>, vector<16xi1> -> vector<16xf32>
      %reduce_sum3A_710 = vector.extract %reduce_sum3A_709[15] : f32 from vector<16xf32>
      %broadcast_in_dim3A_711 = vector.broadcast %reduce_sum3A_710 : f32 to vector<16xf32>
      %select_n3A_712 = arith.select %eq3A_706, %broadcast_in_dim3A_711, %select_n3A : vector<16xi1>, vector<16xf32>
      %add3A_713 = arith.constant 2 : i32
      %add3A_714 = arith.addi %mul3A_651, %add3A_713 : i32
      %get3A_715 = arith.index_cast %add3A_714 : i32 to index
      %get3A_716 = arith.constant 0 : index
      %get3A_717 = tpu.vector_load %arg12[%get3A_715, %get3A_716] {strides = array<i32>} : memref<512x32xf32, #tpu.memory_space<vmem>>, vector<16xf32>,
      %add3A_718 = arith.constant 2 : i32
      %add3A_719 = arith.addi %mul3A_651, %add3A_718 : i32
      %get3A_720 = arith.index_cast %add3A_719 : i32 to index
      %get3A_721 = arith.constant 16 : index
      %get3A_722 = tpu.vector_load %arg12[%get3A_720, %get3A_721] {strides = array<i32>} : memref<512x32xf32, #tpu.memory_space<vmem>>, vector<16xf32>,
      %add3A_723 = arith.constant 2 : i32
      %add3A_724 = arith.addi %mul3A_651, %add3A_723 : i32
      %get3A_725 = arith.index_cast %add3A_724 : i32 to index
      %get3A_726 = arith.constant 0 : index
      %get3A_727 = tpu.vector_load %arg13[%get3A_725, %get3A_726] {strides = array<i32>} : memref<512x32xf32, #tpu.memory_space<vmem>>, vector<16xf32>,
      %add3A_728 = arith.constant 2 : i32
      %add3A_729 = arith.addi %mul3A_651, %add3A_728 : i32
      %get3A_730 = arith.index_cast %add3A_729 : i32 to index
      %get3A_731 = arith.constant 16 : index
      %get3A_732 = tpu.vector_load %arg13[%get3A_730, %get3A_731] {strides = array<i32>} : memref<512x32xf32, #tpu.memory_space<vmem>>, vector<16xf32>,
      %mul3A_733 = arith.mulf %get3A_717, %get3A_727 : vector<16xf32>
      %mul3A_734 = arith.mulf %get3A_722, %get3A_732 : vector<16xf32>
      %add3A_735 = arith.addf %mul3A_733, %mul3A_734 : vector<16xf32>
      %eq3A_736 = arith.constant 2 : i32
      %eq3A_737 = vector.broadcast %eq3A_736 : i32 to vector<16xi32>
      %eq3A_738 = arith.cmpi eq, %iota3A, %eq3A_737 : vector<16xi32>
      %reduce_sum3A_739 = arith.constant true
      %reduce_sum3A_740 = vector.broadcast %reduce_sum3A_739 : i1 to vector<16xi1>
      %reduce_sum3A_741 = tpu.scan <sum>, %add3A_735 masked %reduce_sum3A_740 : vector<16xf32>, vector<16xi1> -> vector<16xf32>
      %reduce_sum3A_742 = vector.extract %reduce_sum3A_741[15] : f32 from vector<16xf32>
      %broadcast_in_dim3A_743 = vector.broadcast %reduce_sum3A_742 : f32 to vector<16xf32>
      %select_n3A_744 = arith.select %eq3A_738, %broadcast_in_dim3A_743, %select_n3A_712 : vector<16xi1>, vector<16xf32>
      %add3A_745 = arith.constant 3 : i32
      %add3A_746 = arith.addi %mul3A_651, %add3A_745 : i32
      %get3A_747 = arith.index_cast %add3A_746 : i32 to index
      %get3A_748 = arith.constant 0 : index
      %get3A_749 = tpu.vector_load %arg12[%get3A_747, %get3A_748] {strides = array<i32>} : memref<512x32xf32, #tpu.memory_space<vmem>>, vector<16xf32>,
      %add3A_750 = arith.constant 3 : i32
      %add3A_751 = arith.addi %mul3A_651, %add3A_750 : i32
      %get3A_752 = arith.index_cast %add3A_751 : i32 to index
      %get3A_753 = arith.constant 16 : index
      %get3A_754 = tpu.vector_load %arg12[%get3A_752, %get3A_753] {strides = array<i32>} : memref<512x32xf32, #tpu.memory_space<vmem>>, vector<16xf32>,
      %add3A_755 = arith.constant 3 : i32
      %add3A_756 = arith.addi %mul3A_651, %add3A_755 : i32
      %get3A_757 = arith.index_cast %add3A_756 : i32 to index
      %get3A_758 = arith.constant 0 : index
      %get3A_759 = tpu.vector_load %arg13[%get3A_757, %get3A_758] {strides = array<i32>} : memref<512x32xf32, #tpu.memory_space<vmem>>, vector<16xf32>,
      %add3A_760 = arith.constant 3 : i32
      %add3A_761 = arith.addi %mul3A_651, %add3A_760 : i32
      %get3A_762 = arith.index_cast %add3A_761 : i32 to index
      %get3A_763 = arith.constant 16 : index
      %get3A_764 = tpu.vector_load %arg13[%get3A_762, %get3A_763] {strides = array<i32>} : memref<512x32xf32, #tpu.memory_space<vmem>>, vector<16xf32>,
      %mul3A_765 = arith.mulf %get3A_749, %get3A_759 : vector<16xf32>
      %mul3A_766 = arith.mulf %get3A_754, %get3A_764 : vector<16xf32>
      %add3A_767 = arith.addf %mul3A_765, %mul3A_766 : vector<16xf32>
      %eq3A_768 = arith.constant 3 : i32
      %eq3A_769 = vector.broadcast %eq3A_768 : i32 to vector<16xi32>
      %eq3A_770 = arith.cmpi eq, %iota3A, %eq3A_769 : vector<16xi32>
      %reduce_sum3A_771 = arith.constant true
      %reduce_sum3A_772 = vector.broadcast %reduce_sum3A_771 : i1 to vector<16xi1>
      %reduce_sum3A_773 = tpu.scan <sum>, %add3A_767 masked %reduce_sum3A_772 : vector<16xf32>, vector<16xi1> -> vector<16xf32>
      %reduce_sum3A_774 = vector.extract %reduce_sum3A_773[15] : f32 from vector<16xf32>
      %broadcast_in_dim3A_775 = vector.broadcast %reduce_sum3A_774 : f32 to vector<16xf32>
      %select_n3A_776 = arith.select %eq3A_770, %broadcast_in_dim3A_775, %select_n3A_744 : vector<16xi1>, vector<16xf32>
      %add3A_777 = arith.constant 4 : i32
      %add3A_778 = arith.addi %mul3A_651, %add3A_777 : i32
      %get3A_779 = arith.index_cast %add3A_778 : i32 to index
      %get3A_780 = arith.constant 0 : index
      %get3A_781 = tpu.vector_load %arg12[%get3A_779, %get3A_780] {strides = array<i32>} : memref<512x32xf32, #tpu.memory_space<vmem>>, vector<16xf32>,
      %add3A_782 = arith.constant 4 : i32
      %add3A_783 = arith.addi %mul3A_651, %add3A_782 : i32
      %get3A_784 = arith.index_cast %add3A_783 : i32 to index
      %get3A_785 = arith.constant 16 : index
      %get3A_786 = tpu.vector_load %arg12[%get3A_784, %get3A_785] {strides = array<i32>} : memref<512x32xf32, #tpu.memory_space<vmem>>, vector<16xf32>,
      %add3A_787 = arith.constant 4 : i32
      %add3A_788 = arith.addi %mul3A_651, %add3A_787 : i32
      %get3A_789 = arith.index_cast %add3A_788 : i32 to index
      %get3A_790 = arith.constant 0 : index
      %get3A_791 = tpu.vector_load %arg13[%get3A_789, %get3A_790] {strides = array<i32>} : memref<512x32xf32, #tpu.memory_space<vmem>>, vector<16xf32>,
      %add3A_792 = arith.constant 4 : i32
      %add3A_793 = arith.addi %mul3A_651, %add3A_792 : i32
      %get3A_794 = arith.index_cast %add3A_793 : i32 to index
      %get3A_795 = arith.constant 16 : index
      %get3A_796 = tpu.vector_load %arg13[%get3A_794, %get3A_795] {strides = array<i32>} : memref<512x32xf32, #tpu.memory_space<vmem>>, vector<16xf32>,
      %mul3A_797 = arith.mulf %get3A_781, %get3A_791 : vector<16xf32>
      %mul3A_798 = arith.mulf %get3A_786, %get3A_796 : vector<16xf32>
      %add3A_799 = arith.addf %mul3A_797, %mul3A_798 : vector<16xf32>
      %eq3A_800 = arith.constant 4 : i32
      %eq3A_801 = vector.broadcast %eq3A_800 : i32 to vector<16xi32>
      %eq3A_802 = arith.cmpi eq, %iota3A, %eq3A_801 : vector<16xi32>
      %reduce_sum3A_803 = arith.constant true
      %reduce_sum3A_804 = vector.broadcast %reduce_sum3A_803 : i1 to vector<16xi1>
      %reduce_sum3A_805 = tpu.scan <sum>, %add3A_799 masked %reduce_sum3A_804 : vector<16xf32>, vector<16xi1> -> vector<16xf32>
      %reduce_sum3A_806 = vector.extract %reduce_sum3A_805[15] : f32 from vector<16xf32>
      %broadcast_in_dim3A_807 = vector.broadcast %reduce_sum3A_806 : f32 to vector<16xf32>
      %select_n3A_808 = arith.select %eq3A_802, %broadcast_in_dim3A_807, %select_n3A_776 : vector<16xi1>, vector<16xf32>
      %add3A_809 = arith.constant 5 : i32
      %add3A_810 = arith.addi %mul3A_651, %add3A_809 : i32
      %get3A_811 = arith.index_cast %add3A_810 : i32 to index
      %get3A_812 = arith.constant 0 : index
      %get3A_813 = tpu.vector_load %arg12[%get3A_811, %get3A_812] {strides = array<i32>} : memref<512x32xf32, #tpu.memory_space<vmem>>, vector<16xf32>,
      %add3A_814 = arith.constant 5 : i32
      %add3A_815 = arith.addi %mul3A_651, %add3A_814 : i32
      %get3A_816 = arith.index_cast %add3A_815 : i32 to index
      %get3A_817 = arith.constant 16 : index
      %get3A_818 = tpu.vector_load %arg12[%get3A_816, %get3A_817] {strides = array<i32>} : memref<512x32xf32, #tpu.memory_space<vmem>>, vector<16xf32>,
      %add3A_819 = arith.constant 5 : i32
      %add3A_820 = arith.addi %mul3A_651, %add3A_819 : i32
      %get3A_821 = arith.index_cast %add3A_820 : i32 to index
      %get3A_822 = arith.constant 0 : index
      %get3A_823 = tpu.vector_load %arg13[%get3A_821, %get3A_822] {strides = array<i32>} : memref<512x32xf32, #tpu.memory_space<vmem>>, vector<16xf32>,
      %add3A_824 = arith.constant 5 : i32
      %add3A_825 = arith.addi %mul3A_651, %add3A_824 : i32
      %get3A_826 = arith.index_cast %add3A_825 : i32 to index
      %get3A_827 = arith.constant 16 : index
      %get3A_828 = tpu.vector_load %arg13[%get3A_826, %get3A_827] {strides = array<i32>} : memref<512x32xf32, #tpu.memory_space<vmem>>, vector<16xf32>,
      %mul3A_829 = arith.mulf %get3A_813, %get3A_823 : vector<16xf32>
      %mul3A_830 = arith.mulf %get3A_818, %get3A_828 : vector<16xf32>
      %add3A_831 = arith.addf %mul3A_829, %mul3A_830 : vector<16xf32>
      %eq3A_832 = arith.constant 5 : i32
      %eq3A_833 = vector.broadcast %eq3A_832 : i32 to vector<16xi32>
      %eq3A_834 = arith.cmpi eq, %iota3A, %eq3A_833 : vector<16xi32>
      %reduce_sum3A_835 = arith.constant true
      %reduce_sum3A_836 = vector.broadcast %reduce_sum3A_835 : i1 to vector<16xi1>
      %reduce_sum3A_837 = tpu.scan <sum>, %add3A_831 masked %reduce_sum3A_836 : vector<16xf32>, vector<16xi1> -> vector<16xf32>
      %reduce_sum3A_838 = vector.extract %reduce_sum3A_837[15] : f32 from vector<16xf32>
      %broadcast_in_dim3A_839 = vector.broadcast %reduce_sum3A_838 : f32 to vector<16xf32>
      %select_n3A_840 = arith.select %eq3A_834, %broadcast_in_dim3A_839, %select_n3A_808 : vector<16xi1>, vector<16xf32>
      %add3A_841 = arith.constant 6 : i32
      %add3A_842 = arith.addi %mul3A_651, %add3A_841 : i32
      %get3A_843 = arith.index_cast %add3A_842 : i32 to index
      %get3A_844 = arith.constant 0 : index
      %get3A_845 = tpu.vector_load %arg12[%get3A_843, %get3A_844] {strides = array<i32>} : memref<512x32xf32, #tpu.memory_space<vmem>>, vector<16xf32>,
      %add3A_846 = arith.constant 6 : i32
      %add3A_847 = arith.addi %mul3A_651, %add3A_846 : i32
      %get3A_848 = arith.index_cast %add3A_847 : i32 to index
      %get3A_849 = arith.constant 16 : index
      %get3A_850 = tpu.vector_load %arg12[%get3A_848, %get3A_849] {strides = array<i32>} : memref<512x32xf32, #tpu.memory_space<vmem>>, vector<16xf32>,
      %add3A_851 = arith.constant 6 : i32
      %add3A_852 = arith.addi %mul3A_651, %add3A_851 : i32
      %get3A_853 = arith.index_cast %add3A_852 : i32 to index
      %get3A_854 = arith.constant 0 : index
      %get3A_855 = tpu.vector_load %arg13[%get3A_853, %get3A_854] {strides = array<i32>} : memref<512x32xf32, #tpu.memory_space<vmem>>, vector<16xf32>,
      %add3A_856 = arith.constant 6 : i32
      %add3A_857 = arith.addi %mul3A_651, %add3A_856 : i32
      %get3A_858 = arith.index_cast %add3A_857 : i32 to index
      %get3A_859 = arith.constant 16 : index
      %get3A_860 = tpu.vector_load %arg13[%get3A_858, %get3A_859] {strides = array<i32>} : memref<512x32xf32, #tpu.memory_space<vmem>>, vector<16xf32>,
      %mul3A_861 = arith.mulf %get3A_845, %get3A_855 : vector<16xf32>
      %mul3A_862 = arith.mulf %get3A_850, %get3A_860 : vector<16xf32>
      %add3A_863 = arith.addf %mul3A_861, %mul3A_862 : vector<16xf32>
      %eq3A_864 = arith.constant 6 : i32
      %eq3A_865 = vector.broadcast %eq3A_864 : i32 to vector<16xi32>
      %eq3A_866 = arith.cmpi eq, %iota3A, %eq3A_865 : vector<16xi32>
      %reduce_sum3A_867 = arith.constant true
      %reduce_sum3A_868 = vector.broadcast %reduce_sum3A_867 : i1 to vector<16xi1>
      %reduce_sum3A_869 = tpu.scan <sum>, %add3A_863 masked %reduce_sum3A_868 : vector<16xf32>, vector<16xi1> -> vector<16xf32>
      %reduce_sum3A_870 = vector.extract %reduce_sum3A_869[15] : f32 from vector<16xf32>
      %broadcast_in_dim3A_871 = vector.broadcast %reduce_sum3A_870 : f32 to vector<16xf32>
      %select_n3A_872 = arith.select %eq3A_866, %broadcast_in_dim3A_871, %select_n3A_840 : vector<16xi1>, vector<16xf32>
      %add3A_873 = arith.constant 7 : i32
      %add3A_874 = arith.addi %mul3A_651, %add3A_873 : i32
      %get3A_875 = arith.index_cast %add3A_874 : i32 to index
      %get3A_876 = arith.constant 0 : index
      %get3A_877 = tpu.vector_load %arg12[%get3A_875, %get3A_876] {strides = array<i32>} : memref<512x32xf32, #tpu.memory_space<vmem>>, vector<16xf32>,
      %add3A_878 = arith.constant 7 : i32
      %add3A_879 = arith.addi %mul3A_651, %add3A_878 : i32
      %get3A_880 = arith.index_cast %add3A_879 : i32 to index
      %get3A_881 = arith.constant 16 : index
      %get3A_882 = tpu.vector_load %arg12[%get3A_880, %get3A_881] {strides = array<i32>} : memref<512x32xf32, #tpu.memory_space<vmem>>, vector<16xf32>,
      %add3A_883 = arith.constant 7 : i32
      %add3A_884 = arith.addi %mul3A_651, %add3A_883 : i32
      %get3A_885 = arith.index_cast %add3A_884 : i32 to index
      %get3A_886 = arith.constant 0 : index
      %get3A_887 = tpu.vector_load %arg13[%get3A_885, %get3A_886] {strides = array<i32>} : memref<512x32xf32, #tpu.memory_space<vmem>>, vector<16xf32>,
      %add3A_888 = arith.constant 7 : i32
      %add3A_889 = arith.addi %mul3A_651, %add3A_888 : i32
      %get3A_890 = arith.index_cast %add3A_889 : i32 to index
      %get3A_891 = arith.constant 16 : index
      %get3A_892 = tpu.vector_load %arg13[%get3A_890, %get3A_891] {strides = array<i32>} : memref<512x32xf32, #tpu.memory_space<vmem>>, vector<16xf32>,
      %mul3A_893 = arith.mulf %get3A_877, %get3A_887 : vector<16xf32>
      %mul3A_894 = arith.mulf %get3A_882, %get3A_892 : vector<16xf32>
      %add3A_895 = arith.addf %mul3A_893, %mul3A_894 : vector<16xf32>
      %eq3A_896 = arith.constant 7 : i32
      %eq3A_897 = vector.broadcast %eq3A_896 : i32 to vector<16xi32>
      %eq3A_898 = arith.cmpi eq, %iota3A, %eq3A_897 : vector<16xi32>
      %reduce_sum3A_899 = arith.constant true
      %reduce_sum3A_900 = vector.broadcast %reduce_sum3A_899 : i1 to vector<16xi1>
      %reduce_sum3A_901 = tpu.scan <sum>, %add3A_895 masked %reduce_sum3A_900 : vector<16xf32>, vector<16xi1> -> vector<16xf32>
      %reduce_sum3A_902 = vector.extract %reduce_sum3A_901[15] : f32 from vector<16xf32>
      %broadcast_in_dim3A_903 = vector.broadcast %reduce_sum3A_902 : f32 to vector<16xf32>
      %select_n3A_904 = arith.select %eq3A_898, %broadcast_in_dim3A_903, %select_n3A_872 : vector<16xi1>, vector<16xf32>
      %add3A_905 = arith.constant 8 : i32
      %add3A_906 = arith.addi %mul3A_651, %add3A_905 : i32
      %get3A_907 = arith.index_cast %add3A_906 : i32 to index
      %get3A_908 = arith.constant 0 : index
      %get3A_909 = tpu.vector_load %arg12[%get3A_907, %get3A_908] {strides = array<i32>} : memref<512x32xf32, #tpu.memory_space<vmem>>, vector<16xf32>,
      %add3A_910 = arith.constant 8 : i32
      %add3A_911 = arith.addi %mul3A_651, %add3A_910 : i32
      %get3A_912 = arith.index_cast %add3A_911 : i32 to index
      %get3A_913 = arith.constant 16 : index
      %get3A_914 = tpu.vector_load %arg12[%get3A_912, %get3A_913] {strides = array<i32>} : memref<512x32xf32, #tpu.memory_space<vmem>>, vector<16xf32>,
      %add3A_915 = arith.constant 8 : i32
      %add3A_916 = arith.addi %mul3A_651, %add3A_915 : i32
      %get3A_917 = arith.index_cast %add3A_916 : i32 to index
      %get3A_918 = arith.constant 0 : index
      %get3A_919 = tpu.vector_load %arg13[%get3A_917, %get3A_918] {strides = array<i32>} : memref<512x32xf32, #tpu.memory_space<vmem>>, vector<16xf32>,
      %add3A_920 = arith.constant 8 : i32
      %add3A_921 = arith.addi %mul3A_651, %add3A_920 : i32
      %get3A_922 = arith.index_cast %add3A_921 : i32 to index
      %get3A_923 = arith.constant 16 : index
      %get3A_924 = tpu.vector_load %arg13[%get3A_922, %get3A_923] {strides = array<i32>} : memref<512x32xf32, #tpu.memory_space<vmem>>, vector<16xf32>,
      %mul3A_925 = arith.mulf %get3A_909, %get3A_919 : vector<16xf32>
      %mul3A_926 = arith.mulf %get3A_914, %get3A_924 : vector<16xf32>
      %add3A_927 = arith.addf %mul3A_925, %mul3A_926 : vector<16xf32>
      %eq3A_928 = arith.constant 8 : i32
      %eq3A_929 = vector.broadcast %eq3A_928 : i32 to vector<16xi32>
      %eq3A_930 = arith.cmpi eq, %iota3A, %eq3A_929 : vector<16xi32>
      %reduce_sum3A_931 = arith.constant true
      %reduce_sum3A_932 = vector.broadcast %reduce_sum3A_931 : i1 to vector<16xi1>
      %reduce_sum3A_933 = tpu.scan <sum>, %add3A_927 masked %reduce_sum3A_932 : vector<16xf32>, vector<16xi1> -> vector<16xf32>
      %reduce_sum3A_934 = vector.extract %reduce_sum3A_933[15] : f32 from vector<16xf32>
      %broadcast_in_dim3A_935 = vector.broadcast %reduce_sum3A_934 : f32 to vector<16xf32>
      %select_n3A_936 = arith.select %eq3A_930, %broadcast_in_dim3A_935, %select_n3A_904 : vector<16xi1>, vector<16xf32>
      %add3A_937 = arith.constant 9 : i32
      %add3A_938 = arith.addi %mul3A_651, %add3A_937 : i32
      %get3A_939 = arith.index_cast %add3A_938 : i32 to index
      %get3A_940 = arith.constant 0 : index
      %get3A_941 = tpu.vector_load %arg12[%get3A_939, %get3A_940] {strides = array<i32>} : memref<512x32xf32, #tpu.memory_space<vmem>>, vector<16xf32>,
      %add3A_942 = arith.constant 9 : i32
      %add3A_943 = arith.addi %mul3A_651, %add3A_942 : i32
      %get3A_944 = arith.index_cast %add3A_943 : i32 to index
      %get3A_945 = arith.constant 16 : index
      %get3A_946 = tpu.vector_load %arg12[%get3A_944, %get3A_945] {strides = array<i32>} : memref<512x32xf32, #tpu.memory_space<vmem>>, vector<16xf32>,
      %add3A_947 = arith.constant 9 : i32
      %add3A_948 = arith.addi %mul3A_651, %add3A_947 : i32
      %get3A_949 = arith.index_cast %add3A_948 : i32 to index
      %get3A_950 = arith.constant 0 : index
      %get3A_951 = tpu.vector_load %arg13[%get3A_949, %get3A_950] {strides = array<i32>} : memref<512x32xf32, #tpu.memory_space<vmem>>, vector<16xf32>,
      %add3A_952 = arith.constant 9 : i32
      %add3A_953 = arith.addi %mul3A_651, %add3A_952 : i32
      %get3A_954 = arith.index_cast %add3A_953 : i32 to index
      %get3A_955 = arith.constant 16 : index
      %get3A_956 = tpu.vector_load %arg13[%get3A_954, %get3A_955] {strides = array<i32>} : memref<512x32xf32, #tpu.memory_space<vmem>>, vector<16xf32>,
      %mul3A_957 = arith.mulf %get3A_941, %get3A_951 : vector<16xf32>
      %mul3A_958 = arith.mulf %get3A_946, %get3A_956 : vector<16xf32>
      %add3A_959 = arith.addf %mul3A_957, %mul3A_958 : vector<16xf32>
      %eq3A_960 = arith.constant 9 : i32
      %eq3A_961 = vector.broadcast %eq3A_960 : i32 to vector<16xi32>
      %eq3A_962 = arith.cmpi eq, %iota3A, %eq3A_961 : vector<16xi32>
      %reduce_sum3A_963 = arith.constant true
      %reduce_sum3A_964 = vector.broadcast %reduce_sum3A_963 : i1 to vector<16xi1>
      %reduce_sum3A_965 = tpu.scan <sum>, %add3A_959 masked %reduce_sum3A_964 : vector<16xf32>, vector<16xi1> -> vector<16xf32>
      %reduce_sum3A_966 = vector.extract %reduce_sum3A_965[15] : f32 from vector<16xf32>
      %broadcast_in_dim3A_967 = vector.broadcast %reduce_sum3A_966 : f32 to vector<16xf32>
      %select_n3A_968 = arith.select %eq3A_962, %broadcast_in_dim3A_967, %select_n3A_936 : vector<16xi1>, vector<16xf32>
      %add3A_969 = arith.constant 10 : i32
      %add3A_970 = arith.addi %mul3A_651, %add3A_969 : i32
      %get3A_971 = arith.index_cast %add3A_970 : i32 to index
      %get3A_972 = arith.constant 0 : index
      %get3A_973 = tpu.vector_load %arg12[%get3A_971, %get3A_972] {strides = array<i32>} : memref<512x32xf32, #tpu.memory_space<vmem>>, vector<16xf32>,
      %add3A_974 = arith.constant 10 : i32
      %add3A_975 = arith.addi %mul3A_651, %add3A_974 : i32
      %get3A_976 = arith.index_cast %add3A_975 : i32 to index
      %get3A_977 = arith.constant 16 : index
      %get3A_978 = tpu.vector_load %arg12[%get3A_976, %get3A_977] {strides = array<i32>} : memref<512x32xf32, #tpu.memory_space<vmem>>, vector<16xf32>,
      %add3A_979 = arith.constant 10 : i32
      %add3A_980 = arith.addi %mul3A_651, %add3A_979 : i32
      %get3A_981 = arith.index_cast %add3A_980 : i32 to index
      %get3A_982 = arith.constant 0 : index
      %get3A_983 = tpu.vector_load %arg13[%get3A_981, %get3A_982] {strides = array<i32>} : memref<512x32xf32, #tpu.memory_space<vmem>>, vector<16xf32>,
      %add3A_984 = arith.constant 10 : i32
      %add3A_985 = arith.addi %mul3A_651, %add3A_984 : i32
      %get3A_986 = arith.index_cast %add3A_985 : i32 to index
      %get3A_987 = arith.constant 16 : index
      %get3A_988 = tpu.vector_load %arg13[%get3A_986, %get3A_987] {strides = array<i32>} : memref<512x32xf32, #tpu.memory_space<vmem>>, vector<16xf32>,
      %mul3A_989 = arith.mulf %get3A_973, %get3A_983 : vector<16xf32>
      %mul3A_990 = arith.mulf %get3A_978, %get3A_988 : vector<16xf32>
      %add3A_991 = arith.addf %mul3A_989, %mul3A_990 : vector<16xf32>
      %eq3A_992 = arith.constant 10 : i32
      %eq3A_993 = vector.broadcast %eq3A_992 : i32 to vector<16xi32>
      %eq3A_994 = arith.cmpi eq, %iota3A, %eq3A_993 : vector<16xi32>
      %reduce_sum3A_995 = arith.constant true
      %reduce_sum3A_996 = vector.broadcast %reduce_sum3A_995 : i1 to vector<16xi1>
      %reduce_sum3A_997 = tpu.scan <sum>, %add3A_991 masked %reduce_sum3A_996 : vector<16xf32>, vector<16xi1> -> vector<16xf32>
      %reduce_sum3A_998 = vector.extract %reduce_sum3A_997[15] : f32 from vector<16xf32>
      %broadcast_in_dim3A_999 = vector.broadcast %reduce_sum3A_998 : f32 to vector<16xf32>
      %select_n3A_1000 = arith.select %eq3A_994, %broadcast_in_dim3A_999, %select_n3A_968 : vector<16xi1>, vector<16xf32>
      %add3A_1001 = arith.constant 11 : i32
      %add3A_1002 = arith.addi %mul3A_651, %add3A_1001 : i32
      %get3A_1003 = arith.index_cast %add3A_1002 : i32 to index
      %get3A_1004 = arith.constant 0 : index
      %get3A_1005 = tpu.vector_load %arg12[%get3A_1003, %get3A_1004] {strides = array<i32>} : memref<512x32xf32, #tpu.memory_space<vmem>>, vector<16xf32>,
      %add3A_1006 = arith.constant 11 : i32
      %add3A_1007 = arith.addi %mul3A_651, %add3A_1006 : i32
      %get3A_1008 = arith.index_cast %add3A_1007 : i32 to index
      %get3A_1009 = arith.constant 16 : index
      %get3A_1010 = tpu.vector_load %arg12[%get3A_1008, %get3A_1009] {strides = array<i32>} : memref<512x32xf32, #tpu.memory_space<vmem>>, vector<16xf32>,
      %add3A_1011 = arith.constant 11 : i32
      %add3A_1012 = arith.addi %mul3A_651, %add3A_1011 : i32
      %get3A_1013 = arith.index_cast %add3A_1012 : i32 to index
      %get3A_1014 = arith.constant 0 : index
      %get3A_1015 = tpu.vector_load %arg13[%get3A_1013, %get3A_1014] {strides = array<i32>} : memref<512x32xf32, #tpu.memory_space<vmem>>, vector<16xf32>,
      %add3A_1016 = arith.constant 11 : i32
      %add3A_1017 = arith.addi %mul3A_651, %add3A_1016 : i32
      %get3A_1018 = arith.index_cast %add3A_1017 : i32 to index
      %get3A_1019 = arith.constant 16 : index
      %get3A_1020 = tpu.vector_load %arg13[%get3A_1018, %get3A_1019] {strides = array<i32>} : memref<512x32xf32, #tpu.memory_space<vmem>>, vector<16xf32>,
      %mul3A_1021 = arith.mulf %get3A_1005, %get3A_1015 : vector<16xf32>
      %mul3A_1022 = arith.mulf %get3A_1010, %get3A_1020 : vector<16xf32>
      %add3A_1023 = arith.addf %mul3A_1021, %mul3A_1022 : vector<16xf32>
      %eq3A_1024 = arith.constant 11 : i32
      %eq3A_1025 = vector.broadcast %eq3A_1024 : i32 to vector<16xi32>
      %eq3A_1026 = arith.cmpi eq, %iota3A, %eq3A_1025 : vector<16xi32>
      %reduce_sum3A_1027 = arith.constant true
      %reduce_sum3A_1028 = vector.broadcast %reduce_sum3A_1027 : i1 to vector<16xi1>
      %reduce_sum3A_1029 = tpu.scan <sum>, %add3A_1023 masked %reduce_sum3A_1028 : vector<16xf32>, vector<16xi1> -> vector<16xf32>
      %reduce_sum3A_1030 = vector.extract %reduce_sum3A_1029[15] : f32 from vector<16xf32>
      %broadcast_in_dim3A_1031 = vector.broadcast %reduce_sum3A_1030 : f32 to vector<16xf32>
      %select_n3A_1032 = arith.select %eq3A_1026, %broadcast_in_dim3A_1031, %select_n3A_1000 : vector<16xi1>, vector<16xf32>
      %add3A_1033 = arith.constant 12 : i32
      %add3A_1034 = arith.addi %mul3A_651, %add3A_1033 : i32
      %get3A_1035 = arith.index_cast %add3A_1034 : i32 to index
      %get3A_1036 = arith.constant 0 : index
      %get3A_1037 = tpu.vector_load %arg12[%get3A_1035, %get3A_1036] {strides = array<i32>} : memref<512x32xf32, #tpu.memory_space<vmem>>, vector<16xf32>,
      %add3A_1038 = arith.constant 12 : i32
      %add3A_1039 = arith.addi %mul3A_651, %add3A_1038 : i32
      %get3A_1040 = arith.index_cast %add3A_1039 : i32 to index
      %get3A_1041 = arith.constant 16 : index
      %get3A_1042 = tpu.vector_load %arg12[%get3A_1040, %get3A_1041] {strides = array<i32>} : memref<512x32xf32, #tpu.memory_space<vmem>>, vector<16xf32>,
      %add3A_1043 = arith.constant 12 : i32
      %add3A_1044 = arith.addi %mul3A_651, %add3A_1043 : i32
      %get3A_1045 = arith.index_cast %add3A_1044 : i32 to index
      %get3A_1046 = arith.constant 0 : index
      %get3A_1047 = tpu.vector_load %arg13[%get3A_1045, %get3A_1046] {strides = array<i32>} : memref<512x32xf32, #tpu.memory_space<vmem>>, vector<16xf32>,
      %add3A_1048 = arith.constant 12 : i32
      %add3A_1049 = arith.addi %mul3A_651, %add3A_1048 : i32
      %get3A_1050 = arith.index_cast %add3A_1049 : i32 to index
      %get3A_1051 = arith.constant 16 : index
      %get3A_1052 = tpu.vector_load %arg13[%get3A_1050, %get3A_1051] {strides = array<i32>} : memref<512x32xf32, #tpu.memory_space<vmem>>, vector<16xf32>,
      %mul3A_1053 = arith.mulf %get3A_1037, %get3A_1047 : vector<16xf32>
      %mul3A_1054 = arith.mulf %get3A_1042, %get3A_1052 : vector<16xf32>
      %add3A_1055 = arith.addf %mul3A_1053, %mul3A_1054 : vector<16xf32>
      %eq3A_1056 = arith.constant 12 : i32
      %eq3A_1057 = vector.broadcast %eq3A_1056 : i32 to vector<16xi32>
      %eq3A_1058 = arith.cmpi eq, %iota3A, %eq3A_1057 : vector<16xi32>
      %reduce_sum3A_1059 = arith.constant true
      %reduce_sum3A_1060 = vector.broadcast %reduce_sum3A_1059 : i1 to vector<16xi1>
      %reduce_sum3A_1061 = tpu.scan <sum>, %add3A_1055 masked %reduce_sum3A_1060 : vector<16xf32>, vector<16xi1> -> vector<16xf32>
      %reduce_sum3A_1062 = vector.extract %reduce_sum3A_1061[15] : f32 from vector<16xf32>
      %broadcast_in_dim3A_1063 = vector.broadcast %reduce_sum3A_1062 : f32 to vector<16xf32>
      %select_n3A_1064 = arith.select %eq3A_1058, %broadcast_in_dim3A_1063, %select_n3A_1032 : vector<16xi1>, vector<16xf32>
      %add3A_1065 = arith.constant 13 : i32
      %add3A_1066 = arith.addi %mul3A_651, %add3A_1065 : i32
      %get3A_1067 = arith.index_cast %add3A_1066 : i32 to index
      %get3A_1068 = arith.constant 0 : index
      %get3A_1069 = tpu.vector_load %arg12[%get3A_1067, %get3A_1068] {strides = array<i32>} : memref<512x32xf32, #tpu.memory_space<vmem>>, vector<16xf32>,
      %add3A_1070 = arith.constant 13 : i32
      %add3A_1071 = arith.addi %mul3A_651, %add3A_1070 : i32
      %get3A_1072 = arith.index_cast %add3A_1071 : i32 to index
      %get3A_1073 = arith.constant 16 : index
      %get3A_1074 = tpu.vector_load %arg12[%get3A_1072, %get3A_1073] {strides = array<i32>} : memref<512x32xf32, #tpu.memory_space<vmem>>, vector<16xf32>,
      %add3A_1075 = arith.constant 13 : i32
      %add3A_1076 = arith.addi %mul3A_651, %add3A_1075 : i32
      %get3A_1077 = arith.index_cast %add3A_1076 : i32 to index
      %get3A_1078 = arith.constant 0 : index
      %get3A_1079 = tpu.vector_load %arg13[%get3A_1077, %get3A_1078] {strides = array<i32>} : memref<512x32xf32, #tpu.memory_space<vmem>>, vector<16xf32>,
      %add3A_1080 = arith.constant 13 : i32
      %add3A_1081 = arith.addi %mul3A_651, %add3A_1080 : i32
      %get3A_1082 = arith.index_cast %add3A_1081 : i32 to index
      %get3A_1083 = arith.constant 16 : index
      %get3A_1084 = tpu.vector_load %arg13[%get3A_1082, %get3A_1083] {strides = array<i32>} : memref<512x32xf32, #tpu.memory_space<vmem>>, vector<16xf32>,
      %mul3A_1085 = arith.mulf %get3A_1069, %get3A_1079 : vector<16xf32>
      %mul3A_1086 = arith.mulf %get3A_1074, %get3A_1084 : vector<16xf32>
      %add3A_1087 = arith.addf %mul3A_1085, %mul3A_1086 : vector<16xf32>
      %eq3A_1088 = arith.constant 13 : i32
      %eq3A_1089 = vector.broadcast %eq3A_1088 : i32 to vector<16xi32>
      %eq3A_1090 = arith.cmpi eq, %iota3A, %eq3A_1089 : vector<16xi32>
      %reduce_sum3A_1091 = arith.constant true
      %reduce_sum3A_1092 = vector.broadcast %reduce_sum3A_1091 : i1 to vector<16xi1>
      %reduce_sum3A_1093 = tpu.scan <sum>, %add3A_1087 masked %reduce_sum3A_1092 : vector<16xf32>, vector<16xi1> -> vector<16xf32>
      %reduce_sum3A_1094 = vector.extract %reduce_sum3A_1093[15] : f32 from vector<16xf32>
      %broadcast_in_dim3A_1095 = vector.broadcast %reduce_sum3A_1094 : f32 to vector<16xf32>
      %select_n3A_1096 = arith.select %eq3A_1090, %broadcast_in_dim3A_1095, %select_n3A_1064 : vector<16xi1>, vector<16xf32>
      %add3A_1097 = arith.constant 14 : i32
      %add3A_1098 = arith.addi %mul3A_651, %add3A_1097 : i32
      %get3A_1099 = arith.index_cast %add3A_1098 : i32 to index
      %get3A_1100 = arith.constant 0 : index
      %get3A_1101 = tpu.vector_load %arg12[%get3A_1099, %get3A_1100] {strides = array<i32>} : memref<512x32xf32, #tpu.memory_space<vmem>>, vector<16xf32>,
      %add3A_1102 = arith.constant 14 : i32
      %add3A_1103 = arith.addi %mul3A_651, %add3A_1102 : i32
      %get3A_1104 = arith.index_cast %add3A_1103 : i32 to index
      %get3A_1105 = arith.constant 16 : index
      %get3A_1106 = tpu.vector_load %arg12[%get3A_1104, %get3A_1105] {strides = array<i32>} : memref<512x32xf32, #tpu.memory_space<vmem>>, vector<16xf32>,
      %add3A_1107 = arith.constant 14 : i32
      %add3A_1108 = arith.addi %mul3A_651, %add3A_1107 : i32
      %get3A_1109 = arith.index_cast %add3A_1108 : i32 to index
      %get3A_1110 = arith.constant 0 : index
      %get3A_1111 = tpu.vector_load %arg13[%get3A_1109, %get3A_1110] {strides = array<i32>} : memref<512x32xf32, #tpu.memory_space<vmem>>, vector<16xf32>,
      %add3A_1112 = arith.constant 14 : i32
      %add3A_1113 = arith.addi %mul3A_651, %add3A_1112 : i32
      %get3A_1114 = arith.index_cast %add3A_1113 : i32 to index
      %get3A_1115 = arith.constant 16 : index
      %get3A_1116 = tpu.vector_load %arg13[%get3A_1114, %get3A_1115] {strides = array<i32>} : memref<512x32xf32, #tpu.memory_space<vmem>>, vector<16xf32>,
      %mul3A_1117 = arith.mulf %get3A_1101, %get3A_1111 : vector<16xf32>
      %mul3A_1118 = arith.mulf %get3A_1106, %get3A_1116 : vector<16xf32>
      %add3A_1119 = arith.addf %mul3A_1117, %mul3A_1118 : vector<16xf32>
      %eq3A_1120 = arith.constant 14 : i32
      %eq3A_1121 = vector.broadcast %eq3A_1120 : i32 to vector<16xi32>
      %eq3A_1122 = arith.cmpi eq, %iota3A, %eq3A_1121 : vector<16xi32>
      %reduce_sum3A_1123 = arith.constant true
      %reduce_sum3A_1124 = vector.broadcast %reduce_sum3A_1123 : i1 to vector<16xi1>
      %reduce_sum3A_1125 = tpu.scan <sum>, %add3A_1119 masked %reduce_sum3A_1124 : vector<16xf32>, vector<16xi1> -> vector<16xf32>
      %reduce_sum3A_1126 = vector.extract %reduce_sum3A_1125[15] : f32 from vector<16xf32>
      %broadcast_in_dim3A_1127 = vector.broadcast %reduce_sum3A_1126 : f32 to vector<16xf32>
      %select_n3A_1128 = arith.select %eq3A_1122, %broadcast_in_dim3A_1127, %select_n3A_1096 : vector<16xi1>, vector<16xf32>
      %add3A_1129 = arith.constant 15 : i32
      %add3A_1130 = arith.addi %mul3A_651, %add3A_1129 : i32
      %get3A_1131 = arith.index_cast %add3A_1130 : i32 to index
      %get3A_1132 = arith.constant 0 : index
      %get3A_1133 = tpu.vector_load %arg12[%get3A_1131, %get3A_1132] {strides = array<i32>} : memref<512x32xf32, #tpu.memory_space<vmem>>, vector<16xf32>,
      %add3A_1134 = arith.constant 15 : i32
      %add3A_1135 = arith.addi %mul3A_651, %add3A_1134 : i32
      %get3A_1136 = arith.index_cast %add3A_1135 : i32 to index
      %get3A_1137 = arith.constant 16 : index
      %get3A_1138 = tpu.vector_load %arg12[%get3A_1136, %get3A_1137] {strides = array<i32>} : memref<512x32xf32, #tpu.memory_space<vmem>>, vector<16xf32>,
      %add3A_1139 = arith.constant 15 : i32
      %add3A_1140 = arith.addi %mul3A_651, %add3A_1139 : i32
      %get3A_1141 = arith.index_cast %add3A_1140 : i32 to index
      %get3A_1142 = arith.constant 0 : index
      %get3A_1143 = tpu.vector_load %arg13[%get3A_1141, %get3A_1142] {strides = array<i32>} : memref<512x32xf32, #tpu.memory_space<vmem>>, vector<16xf32>,
      %add3A_1144 = arith.constant 15 : i32
      %add3A_1145 = arith.addi %mul3A_651, %add3A_1144 : i32
      %get3A_1146 = arith.index_cast %add3A_1145 : i32 to index
      %get3A_1147 = arith.constant 16 : index
      %get3A_1148 = tpu.vector_load %arg13[%get3A_1146, %get3A_1147] {strides = array<i32>} : memref<512x32xf32, #tpu.memory_space<vmem>>, vector<16xf32>,
      %mul3A_1149 = arith.mulf %get3A_1133, %get3A_1143 : vector<16xf32>
      %mul3A_1150 = arith.mulf %get3A_1138, %get3A_1148 : vector<16xf32>
      %add3A_1151 = arith.addf %mul3A_1149, %mul3A_1150 : vector<16xf32>
      %eq3A_1152 = arith.constant 15 : i32
      %eq3A_1153 = vector.broadcast %eq3A_1152 : i32 to vector<16xi32>
      %eq3A_1154 = arith.cmpi eq, %iota3A, %eq3A_1153 : vector<16xi32>
      %reduce_sum3A_1155 = arith.constant true
      %reduce_sum3A_1156 = vector.broadcast %reduce_sum3A_1155 : i1 to vector<16xi1>
      %reduce_sum3A_1157 = tpu.scan <sum>, %add3A_1151 masked %reduce_sum3A_1156 : vector<16xf32>, vector<16xi1> -> vector<16xf32>
      %reduce_sum3A_1158 = vector.extract %reduce_sum3A_1157[15] : f32 from vector<16xf32>
      %broadcast_in_dim3A_1159 = vector.broadcast %reduce_sum3A_1158 : f32 to vector<16xf32>
      %select_n3A_1160 = arith.select %eq3A_1154, %broadcast_in_dim3A_1159, %select_n3A_1128 : vector<16xi1>, vector<16xf32>
      %swap3A_1161 = arith.index_cast %mul3A_651 : i32 to index
      %swap3A_1162 = tpu.vector_load %arg16[%swap3A_1161] {strides = array<i32>} : memref<512xf32, #tpu.memory_space<vmem>>, vector<16xf32>,
      tpu.vector_store %arg16[%swap3A_1161], %select_n3A_1160 {strides = array<i32>} : memref<512xf32, #tpu.memory_space<vmem>>, vector<16xf32>,
    }
    %scan3A_297 = arith.constant 32 : i32
    %get3A_298 = arith.constant 0 : index
    %get3A_299 = tpu.vector_load %arg16[%get3A_298] {strides = array<i32>} : memref<512xf32, #tpu.memory_space<vmem>>, vector<16xf32>,
    %get3A_300 = arith.constant 0 : index
    %get3A_301 = tpu.vector_load %arg14[%get3A_300] {strides = array<i32>} : memref<512xf32, #tpu.memory_space<vmem>>, vector<16xf32>,
    %add3A_302 = arith.addf %get3A_299, %get3A_301 : vector<16xf32>
    %get3A_303 = arith.constant 0 : index
    %get3A_304 = tpu.vector_load %arg15[%get3A_303] {strides = array<i32>} : memref<512xf32, #tpu.memory_space<vmem>>, vector<16xf32>,
    %add3A_305 = arith.addf %add3A_302, %get3A_304 : vector<16xf32>
    %add3A_306 = arith.addf %add3A_305, %get3A_292 : vector<16xf32>
    %swap3A = arith.constant 0 : index
    %swap3A_307 = tpu.vector_load %arg16[%swap3A] {strides = array<i32>} : memref<512xf32, #tpu.memory_space<vmem>>, vector<16xf32>,
    tpu.vector_store %arg16[%swap3A], %add3A_306 {strides = array<i32>} : memref<512xf32, #tpu.memory_space<vmem>>, vector<16xf32>,
    %get3A_308 = arith.constant 16 : index
    %get3A_309 = tpu.vector_load %arg16[%get3A_308] {strides = array<i32>} : memref<512xf32, #tpu.memory_space<vmem>>, vector<16xf32>,
    %get3A_310 = arith.constant 16 : index
    %get3A_311 = tpu.vector_load %arg14[%get3A_310] {strides = array<i32>} : memref<512xf32, #tpu.memory_space<vmem>>, vector<16xf32>,
    %add3A_312 = arith.addf %get3A_309, %get3A_311 : vector<16xf32>
    %get3A_313 = arith.constant 16 : index
    %get3A_314 = tpu.vector_load %arg15[%get3A_313] {strides = array<i32>} : memref<512xf32, #tpu.memory_space<vmem>>, vector<16xf32>,
    %add3A_315 = arith.addf %add3A_312, %get3A_314 : vector<16xf32>
    %add3A_316 = arith.addf %add3A_315, %get3A_292 : vector<16xf32>
    %swap3A_317 = arith.constant 16 : index
    %swap3A_318 = tpu.vector_load %arg16[%swap3A_317] {strides = array<i32>} : memref<512xf32, #tpu.memory_space<vmem>>, vector<16xf32>,
    tpu.vector_store %arg16[%swap3A_317], %add3A_316 {strides = array<i32>} : memref<512xf32, #tpu.memory_space<vmem>>, vector<16xf32>,
    %get3A_319 = arith.constant 32 : index
    %get3A_320 = tpu.vector_load %arg16[%get3A_319] {strides = array<i32>} : memref<512xf32, #tpu.memory_space<vmem>>, vector<16xf32>,
    %get3A_321 = arith.constant 32 : index
    %get3A_322 = tpu.vector_load %arg14[%get3A_321] {strides = array<i32>} : memref<512xf32, #tpu.memory_space<vmem>>, vector<16xf32>,
    %add3A_323 = arith.addf %get3A_320, %get3A_322 : vector<16xf32>
    %get3A_324 = arith.constant 32 : index
    %get3A_325 = tpu.vector_load %arg15[%get3A_324] {strides = array<i32>} : memref<512xf32, #tpu.memory_space<vmem>>, vector<16xf32>,
    %add3A_326 = arith.addf %add3A_323, %get3A_325 : vector<16xf32>
    %add3A_327 = arith.addf %add3A_326, %get3A_292 : vector<16xf32>
    %swap3A_328 = arith.constant 32 : index
    %swap3A_329 = tpu.vector_load %arg16[%swap3A_328] {strides = array<i32>} : memref<512xf32, #tpu.memory_space<vmem>>, vector<16xf32>,
    tpu.vector_store %arg16[%swap3A_328], %add3A_327 {strides = array<i32>} : memref<512xf32, #tpu.memory_space<vmem>>, vector<16xf32>,
    %get3A_330 = arith.constant 48 : index
    %get3A_331 = tpu.vector_load %arg16[%get3A_330] {strides = array<i32>} : memref<512xf32, #tpu.memory_space<vmem>>, vector<16xf32>,
    %get3A_332 = arith.constant 48 : index
    %get3A_333 = tpu.vector_load %arg14[%get3A_332] {strides = array<i32>} : memref<512xf32, #tpu.memory_space<vmem>>, vector<16xf32>,
    %add3A_334 = arith.addf %get3A_331, %get3A_333 : vector<16xf32>
    %get3A_335 = arith.constant 48 : index
    %get3A_336 = tpu.vector_load %arg15[%get3A_335] {strides = array<i32>} : memref<512xf32, #tpu.memory_space<vmem>>, vector<16xf32>,
    %add3A_337 = arith.addf %add3A_334, %get3A_336 : vector<16xf32>
    %add3A_338 = arith.addf %add3A_337, %get3A_292 : vector<16xf32>
    %swap3A_339 = arith.constant 48 : index
    %swap3A_340 = tpu.vector_load %arg16[%swap3A_339] {strides = array<i32>} : memref<512xf32, #tpu.memory_space<vmem>>, vector<16xf32>,
    tpu.vector_store %arg16[%swap3A_339], %add3A_338 {strides = array<i32>} : memref<512xf32, #tpu.memory_space<vmem>>, vector<16xf32>,
    %get3A_341 = arith.constant 64 : index
    %get3A_342 = tpu.vector_load %arg16[%get3A_341] {strides = array<i32>} : memref<512xf32, #tpu.memory_space<vmem>>, vector<16xf32>,
    %get3A_343 = arith.constant 64 : index
    %get3A_344 = tpu.vector_load %arg14[%get3A_343] {strides = array<i32>} : memref<512xf32, #tpu.memory_space<vmem>>, vector<16xf32>,
    %add3A_345 = arith.addf %get3A_342, %get3A_344 : vector<16xf32>
    %get3A_346 = arith.constant 64 : index
    %get3A_347 = tpu.vector_load %arg15[%get3A_346] {strides = array<i32>} : memref<512xf32, #tpu.memory_space<vmem>>, vector<16xf32>,
    %add3A_348 = arith.addf %add3A_345, %get3A_347 : vector<16xf32>
    %add3A_349 = arith.addf %add3A_348, %get3A_292 : vector<16xf32>
    %swap3A_350 = arith.constant 64 : index
    %swap3A_351 = tpu.vector_load %arg16[%swap3A_350] {strides = array<i32>} : memref<512xf32, #tpu.memory_space<vmem>>, vector<16xf32>,
    tpu.vector_store %arg16[%swap3A_350], %add3A_349 {strides = array<i32>} : memref<512xf32, #tpu.memory_space<vmem>>, vector<16xf32>,
    %get3A_352 = arith.constant 80 : index
    %get3A_353 = tpu.vector_load %arg16[%get3A_352] {strides = array<i32>} : memref<512xf32, #tpu.memory_space<vmem>>, vector<16xf32>,
    %get3A_354 = arith.constant 80 : index
    %get3A_355 = tpu.vector_load %arg14[%get3A_354] {strides = array<i32>} : memref<512xf32, #tpu.memory_space<vmem>>, vector<16xf32>,
    %add3A_356 = arith.addf %get3A_353, %get3A_355 : vector<16xf32>
    %get3A_357 = arith.constant 80 : index
    %get3A_358 = tpu.vector_load %arg15[%get3A_357] {strides = array<i32>} : memref<512xf32, #tpu.memory_space<vmem>>, vector<16xf32>,
    %add3A_359 = arith.addf %add3A_356, %get3A_358 : vector<16xf32>
    %add3A_360 = arith.addf %add3A_359, %get3A_292 : vector<16xf32>
    %swap3A_361 = arith.constant 80 : index
    %swap3A_362 = tpu.vector_load %arg16[%swap3A_361] {strides = array<i32>} : memref<512xf32, #tpu.memory_space<vmem>>, vector<16xf32>,
    tpu.vector_store %arg16[%swap3A_361], %add3A_360 {strides = array<i32>} : memref<512xf32, #tpu.memory_space<vmem>>, vector<16xf32>,
    %get3A_363 = arith.constant 96 : index
    %get3A_364 = tpu.vector_load %arg16[%get3A_363] {strides = array<i32>} : memref<512xf32, #tpu.memory_space<vmem>>, vector<16xf32>,
    %get3A_365 = arith.constant 96 : index
    %get3A_366 = tpu.vector_load %arg14[%get3A_365] {strides = array<i32>} : memref<512xf32, #tpu.memory_space<vmem>>, vector<16xf32>,
    %add3A_367 = arith.addf %get3A_364, %get3A_366 : vector<16xf32>
    %get3A_368 = arith.constant 96 : index
    %get3A_369 = tpu.vector_load %arg15[%get3A_368] {strides = array<i32>} : memref<512xf32, #tpu.memory_space<vmem>>, vector<16xf32>,
    %add3A_370 = arith.addf %add3A_367, %get3A_369 : vector<16xf32>
    %add3A_371 = arith.addf %add3A_370, %get3A_292 : vector<16xf32>
    %swap3A_372 = arith.constant 96 : index
    %swap3A_373 = tpu.vector_load %arg16[%swap3A_372] {strides = array<i32>} : memref<512xf32, #tpu.memory_space<vmem>>, vector<16xf32>,
    tpu.vector_store %arg16[%swap3A_372], %add3A_371 {strides = array<i32>} : memref<512xf32, #tpu.memory_space<vmem>>, vector<16xf32>,
    %get3A_374 = arith.constant 112 : index
    %get3A_375 = tpu.vector_load %arg16[%get3A_374] {strides = array<i32>} : memref<512xf32, #tpu.memory_space<vmem>>, vector<16xf32>,
    %get3A_376 = arith.constant 112 : index
    %get3A_377 = tpu.vector_load %arg14[%get3A_376] {strides = array<i32>} : memref<512xf32, #tpu.memory_space<vmem>>, vector<16xf32>,
    %add3A_378 = arith.addf %get3A_375, %get3A_377 : vector<16xf32>
    %get3A_379 = arith.constant 112 : index
    %get3A_380 = tpu.vector_load %arg15[%get3A_379] {strides = array<i32>} : memref<512xf32, #tpu.memory_space<vmem>>, vector<16xf32>,
    %add3A_381 = arith.addf %add3A_378, %get3A_380 : vector<16xf32>
    %add3A_382 = arith.addf %add3A_381, %get3A_292 : vector<16xf32>
    %swap3A_383 = arith.constant 112 : index
    %swap3A_384 = tpu.vector_load %arg16[%swap3A_383] {strides = array<i32>} : memref<512xf32, #tpu.memory_space<vmem>>, vector<16xf32>,
    tpu.vector_store %arg16[%swap3A_383], %add3A_382 {strides = array<i32>} : memref<512xf32, #tpu.memory_space<vmem>>, vector<16xf32>,
    %get3A_385 = arith.constant 128 : index
    %get3A_386 = tpu.vector_load %arg16[%get3A_385] {strides = array<i32>} : memref<512xf32, #tpu.memory_space<vmem>>, vector<16xf32>,
    %get3A_387 = arith.constant 128 : index
    %get3A_388 = tpu.vector_load %arg14[%get3A_387] {strides = array<i32>} : memref<512xf32, #tpu.memory_space<vmem>>, vector<16xf32>,
    %add3A_389 = arith.addf %get3A_386, %get3A_388 : vector<16xf32>
    %get3A_390 = arith.constant 128 : index
    %get3A_391 = tpu.vector_load %arg15[%get3A_390] {strides = array<i32>} : memref<512xf32, #tpu.memory_space<vmem>>, vector<16xf32>,
    %add3A_392 = arith.addf %add3A_389, %get3A_391 : vector<16xf32>
    %add3A_393 = arith.addf %add3A_392, %get3A_292 : vector<16xf32>
    %swap3A_394 = arith.constant 128 : index
    %swap3A_395 = tpu.vector_load %arg16[%swap3A_394] {strides = array<i32>} : memref<512xf32, #tpu.memory_space<vmem>>, vector<16xf32>,
    tpu.vector_store %arg16[%swap3A_394], %add3A_393 {strides = array<i32>} : memref<512xf32, #tpu.memory_space<vmem>>, vector<16xf32>,
    %get3A_396 = arith.constant 144 : index
    %get3A_397 = tpu.vector_load %arg16[%get3A_396] {strides = array<i32>} : memref<512xf32, #tpu.memory_space<vmem>>, vector<16xf32>,
    %get3A_398 = arith.constant 144 : index
    %get3A_399 = tpu.vector_load %arg14[%get3A_398] {strides = array<i32>} : memref<512xf32, #tpu.memory_space<vmem>>, vector<16xf32>,
    %add3A_400 = arith.addf %get3A_397, %get3A_399 : vector<16xf32>
    %get3A_401 = arith.constant 144 : index
    %get3A_402 = tpu.vector_load %arg15[%get3A_401] {strides = array<i32>} : memref<512xf32, #tpu.memory_space<vmem>>, vector<16xf32>,
    %add3A_403 = arith.addf %add3A_400, %get3A_402 : vector<16xf32>
    %add3A_404 = arith.addf %add3A_403, %get3A_292 : vector<16xf32>
    %swap3A_405 = arith.constant 144 : index
    %swap3A_406 = tpu.vector_load %arg16[%swap3A_405] {strides = array<i32>} : memref<512xf32, #tpu.memory_space<vmem>>, vector<16xf32>,
    tpu.vector_store %arg16[%swap3A_405], %add3A_404 {strides = array<i32>} : memref<512xf32, #tpu.memory_space<vmem>>, vector<16xf32>,
    %get3A_407 = arith.constant 160 : index
    %get3A_408 = tpu.vector_load %arg16[%get3A_407] {strides = array<i32>} : memref<512xf32, #tpu.memory_space<vmem>>, vector<16xf32>,
    %get3A_409 = arith.constant 160 : index
    %get3A_410 = tpu.vector_load %arg14[%get3A_409] {strides = array<i32>} : memref<512xf32, #tpu.memory_space<vmem>>, vector<16xf32>,
    %add3A_411 = arith.addf %get3A_408, %get3A_410 : vector<16xf32>
    %get3A_412 = arith.constant 160 : index
    %get3A_413 = tpu.vector_load %arg15[%get3A_412] {strides = array<i32>} : memref<512xf32, #tpu.memory_space<vmem>>, vector<16xf32>,
    %add3A_414 = arith.addf %add3A_411, %get3A_413 : vector<16xf32>
    %add3A_415 = arith.addf %add3A_414, %get3A_292 : vector<16xf32>
    %swap3A_416 = arith.constant 160 : index
    %swap3A_417 = tpu.vector_load %arg16[%swap3A_416] {strides = array<i32>} : memref<512xf32, #tpu.memory_space<vmem>>, vector<16xf32>,
    tpu.vector_store %arg16[%swap3A_416], %add3A_415 {strides = array<i32>} : memref<512xf32, #tpu.memory_space<vmem>>, vector<16xf32>,
    %get3A_418 = arith.constant 176 : index
    %get3A_419 = tpu.vector_load %arg16[%get3A_418] {strides = array<i32>} : memref<512xf32, #tpu.memory_space<vmem>>, vector<16xf32>,
    %get3A_420 = arith.constant 176 : index
    %get3A_421 = tpu.vector_load %arg14[%get3A_420] {strides = array<i32>} : memref<512xf32, #tpu.memory_space<vmem>>, vector<16xf32>,
    %add3A_422 = arith.addf %get3A_419, %get3A_421 : vector<16xf32>
    %get3A_423 = arith.constant 176 : index
    %get3A_424 = tpu.vector_load %arg15[%get3A_423] {strides = array<i32>} : memref<512xf32, #tpu.memory_space<vmem>>, vector<16xf32>,
    %add3A_425 = arith.addf %add3A_422, %get3A_424 : vector<16xf32>
    %add3A_426 = arith.addf %add3A_425, %get3A_292 : vector<16xf32>
    %swap3A_427 = arith.constant 176 : index
    %swap3A_428 = tpu.vector_load %arg16[%swap3A_427] {strides = array<i32>} : memref<512xf32, #tpu.memory_space<vmem>>, vector<16xf32>,
    tpu.vector_store %arg16[%swap3A_427], %add3A_426 {strides = array<i32>} : memref<512xf32, #tpu.memory_space<vmem>>, vector<16xf32>,
    %get3A_429 = arith.constant 192 : index
    %get3A_430 = tpu.vector_load %arg16[%get3A_429] {strides = array<i32>} : memref<512xf32, #tpu.memory_space<vmem>>, vector<16xf32>,
    %get3A_431 = arith.constant 192 : index
    %get3A_432 = tpu.vector_load %arg14[%get3A_431] {strides = array<i32>} : memref<512xf32, #tpu.memory_space<vmem>>, vector<16xf32>,
    %add3A_433 = arith.addf %get3A_430, %get3A_432 : vector<16xf32>
    %get3A_434 = arith.constant 192 : index
    %get3A_435 = tpu.vector_load %arg15[%get3A_434] {strides = array<i32>} : memref<512xf32, #tpu.memory_space<vmem>>, vector<16xf32>,
    %add3A_436 = arith.addf %add3A_433, %get3A_435 : vector<16xf32>
    %add3A_437 = arith.addf %add3A_436, %get3A_292 : vector<16xf32>
    %swap3A_438 = arith.constant 192 : index
    %swap3A_439 = tpu.vector_load %arg16[%swap3A_438] {strides = array<i32>} : memref<512xf32, #tpu.memory_space<vmem>>, vector<16xf32>,
    tpu.vector_store %arg16[%swap3A_438], %add3A_437 {strides = array<i32>} : memref<512xf32, #tpu.memory_space<vmem>>, vector<16xf32>,
    %get3A_440 = arith.constant 208 : index
    %get3A_441 = tpu.vector_load %arg16[%get3A_440] {strides = array<i32>} : memref<512xf32, #tpu.memory_space<vmem>>, vector<16xf32>,
    %get3A_442 = arith.constant 208 : index
    %get3A_443 = tpu.vector_load %arg14[%get3A_442] {strides = array<i32>} : memref<512xf32, #tpu.memory_space<vmem>>, vector<16xf32>,
    %add3A_444 = arith.addf %get3A_441, %get3A_443 : vector<16xf32>
    %get3A_445 = arith.constant 208 : index
    %get3A_446 = tpu.vector_load %arg15[%get3A_445] {strides = array<i32>} : memref<512xf32, #tpu.memory_space<vmem>>, vector<16xf32>,
    %add3A_447 = arith.addf %add3A_444, %get3A_446 : vector<16xf32>
    %add3A_448 = arith.addf %add3A_447, %get3A_292 : vector<16xf32>
    %swap3A_449 = arith.constant 208 : index
    %swap3A_450 = tpu.vector_load %arg16[%swap3A_449] {strides = array<i32>} : memref<512xf32, #tpu.memory_space<vmem>>, vector<16xf32>,
    tpu.vector_store %arg16[%swap3A_449], %add3A_448 {strides = array<i32>} : memref<512xf32, #tpu.memory_space<vmem>>, vector<16xf32>,
    %get3A_451 = arith.constant 224 : index
    %get3A_452 = tpu.vector_load %arg16[%get3A_451] {strides = array<i32>} : memref<512xf32, #tpu.memory_space<vmem>>, vector<16xf32>,
    %get3A_453 = arith.constant 224 : index
    %get3A_454 = tpu.vector_load %arg14[%get3A_453] {strides = array<i32>} : memref<512xf32, #tpu.memory_space<vmem>>, vector<16xf32>,
    %add3A_455 = arith.addf %get3A_452, %get3A_454 : vector<16xf32>
    %get3A_456 = arith.constant 224 : index
    %get3A_457 = tpu.vector_load %arg15[%get3A_456] {strides = array<i32>} : memref<512xf32, #tpu.memory_space<vmem>>, vector<16xf32>,
    %add3A_458 = arith.addf %add3A_455, %get3A_457 : vector<16xf32>
    %add3A_459 = arith.addf %add3A_458, %get3A_292 : vector<16xf32>
    %swap3A_460 = arith.constant 224 : index
    %swap3A_461 = tpu.vector_load %arg16[%swap3A_460] {strides = array<i32>} : memref<512xf32, #tpu.memory_space<vmem>>, vector<16xf32>,
    tpu.vector_store %arg16[%swap3A_460], %add3A_459 {strides = array<i32>} : memref<512xf32, #tpu.memory_space<vmem>>, vector<16xf32>,
    %get3A_462 = arith.constant 240 : index
    %get3A_463 = tpu.vector_load %arg16[%get3A_462] {strides = array<i32>} : memref<512xf32, #tpu.memory_space<vmem>>, vector<16xf32>,
    %get3A_464 = arith.constant 240 : index
    %get3A_465 = tpu.vector_load %arg14[%get3A_464] {strides = array<i32>} : memref<512xf32, #tpu.memory_space<vmem>>, vector<16xf32>,
    %add3A_466 = arith.addf %get3A_463, %get3A_465 : vector<16xf32>
    %get3A_467 = arith.constant 240 : index
    %get3A_468 = tpu.vector_load %arg15[%get3A_467] {strides = array<i32>} : memref<512xf32, #tpu.memory_space<vmem>>, vector<16xf32>,
    %add3A_469 = arith.addf %add3A_466, %get3A_468 : vector<16xf32>
    %add3A_470 = arith.addf %add3A_469, %get3A_292 : vector<16xf32>
    %swap3A_471 = arith.constant 240 : index
    %swap3A_472 = tpu.vector_load %arg16[%swap3A_471] {strides = array<i32>} : memref<512xf32, #tpu.memory_space<vmem>>, vector<16xf32>,
    tpu.vector_store %arg16[%swap3A_471], %add3A_470 {strides = array<i32>} : memref<512xf32, #tpu.memory_space<vmem>>, vector<16xf32>,
    %get3A_473 = arith.constant 256 : index
    %get3A_474 = tpu.vector_load %arg16[%get3A_473] {strides = array<i32>} : memref<512xf32, #tpu.memory_space<vmem>>, vector<16xf32>,
    %get3A_475 = arith.constant 256 : index
    %get3A_476 = tpu.vector_load %arg14[%get3A_475] {strides = array<i32>} : memref<512xf32, #tpu.memory_space<vmem>>, vector<16xf32>,
    %add3A_477 = arith.addf %get3A_474, %get3A_476 : vector<16xf32>
    %get3A_478 = arith.constant 256 : index
    %get3A_479 = tpu.vector_load %arg15[%get3A_478] {strides = array<i32>} : memref<512xf32, #tpu.memory_space<vmem>>, vector<16xf32>,
    %add3A_480 = arith.addf %add3A_477, %get3A_479 : vector<16xf32>
    %add3A_481 = arith.addf %add3A_480, %get3A_292 : vector<16xf32>
    %swap3A_482 = arith.constant 256 : index
    %swap3A_483 = tpu.vector_load %arg16[%swap3A_482] {strides = array<i32>} : memref<512xf32, #tpu.memory_space<vmem>>, vector<16xf32>,
    tpu.vector_store %arg16[%swap3A_482], %add3A_481 {strides = array<i32>} : memref<512xf32, #tpu.memory_space<vmem>>, vector<16xf32>,
    %get3A_484 = arith.constant 272 : index
    %get3A_485 = tpu.vector_load %arg16[%get3A_484] {strides = array<i32>} : memref<512xf32, #tpu.memory_space<vmem>>, vector<16xf32>,
    %get3A_486 = arith.constant 272 : index
    %get3A_487 = tpu.vector_load %arg14[%get3A_486] {strides = array<i32>} : memref<512xf32, #tpu.memory_space<vmem>>, vector<16xf32>,
    %add3A_488 = arith.addf %get3A_485, %get3A_487 : vector<16xf32>
    %get3A_489 = arith.constant 272 : index
    %get3A_490 = tpu.vector_load %arg15[%get3A_489] {strides = array<i32>} : memref<512xf32, #tpu.memory_space<vmem>>, vector<16xf32>,
    %add3A_491 = arith.addf %add3A_488, %get3A_490 : vector<16xf32>
    %add3A_492 = arith.addf %add3A_491, %get3A_292 : vector<16xf32>
    %swap3A_493 = arith.constant 272 : index
    %swap3A_494 = tpu.vector_load %arg16[%swap3A_493] {strides = array<i32>} : memref<512xf32, #tpu.memory_space<vmem>>, vector<16xf32>,
    tpu.vector_store %arg16[%swap3A_493], %add3A_492 {strides = array<i32>} : memref<512xf32, #tpu.memory_space<vmem>>, vector<16xf32>,
    %get3A_495 = arith.constant 288 : index
    %get3A_496 = tpu.vector_load %arg16[%get3A_495] {strides = array<i32>} : memref<512xf32, #tpu.memory_space<vmem>>, vector<16xf32>,
    %get3A_497 = arith.constant 288 : index
    %get3A_498 = tpu.vector_load %arg14[%get3A_497] {strides = array<i32>} : memref<512xf32, #tpu.memory_space<vmem>>, vector<16xf32>,
    %add3A_499 = arith.addf %get3A_496, %get3A_498 : vector<16xf32>
    %get3A_500 = arith.constant 288 : index
    %get3A_501 = tpu.vector_load %arg15[%get3A_500] {strides = array<i32>} : memref<512xf32, #tpu.memory_space<vmem>>, vector<16xf32>,
    %add3A_502 = arith.addf %add3A_499, %get3A_501 : vector<16xf32>
    %add3A_503 = arith.addf %add3A_502, %get3A_292 : vector<16xf32>
    %swap3A_504 = arith.constant 288 : index
    %swap3A_505 = tpu.vector_load %arg16[%swap3A_504] {strides = array<i32>} : memref<512xf32, #tpu.memory_space<vmem>>, vector<16xf32>,
    tpu.vector_store %arg16[%swap3A_504], %add3A_503 {strides = array<i32>} : memref<512xf32, #tpu.memory_space<vmem>>, vector<16xf32>,
    %get3A_506 = arith.constant 304 : index
    %get3A_507 = tpu.vector_load %arg16[%get3A_506] {strides = array<i32>} : memref<512xf32, #tpu.memory_space<vmem>>, vector<16xf32>,
    %get3A_508 = arith.constant 304 : index
    %get3A_509 = tpu.vector_load %arg14[%get3A_508] {strides = array<i32>} : memref<512xf32, #tpu.memory_space<vmem>>, vector<16xf32>,
    %add3A_510 = arith.addf %get3A_507, %get3A_509 : vector<16xf32>
    %get3A_511 = arith.constant 304 : index
    %get3A_512 = tpu.vector_load %arg15[%get3A_511] {strides = array<i32>} : memref<512xf32, #tpu.memory_space<vmem>>, vector<16xf32>,
    %add3A_513 = arith.addf %add3A_510, %get3A_512 : vector<16xf32>
    %add3A_514 = arith.addf %add3A_513, %get3A_292 : vector<16xf32>
    %swap3A_515 = arith.constant 304 : index
    %swap3A_516 = tpu.vector_load %arg16[%swap3A_515] {strides = array<i32>} : memref<512xf32, #tpu.memory_space<vmem>>, vector<16xf32>,
    tpu.vector_store %arg16[%swap3A_515], %add3A_514 {strides = array<i32>} : memref<512xf32, #tpu.memory_space<vmem>>, vector<16xf32>,
    %get3A_517 = arith.constant 320 : index
    %get3A_518 = tpu.vector_load %arg16[%get3A_517] {strides = array<i32>} : memref<512xf32, #tpu.memory_space<vmem>>, vector<16xf32>,
    %get3A_519 = arith.constant 320 : index
    %get3A_520 = tpu.vector_load %arg14[%get3A_519] {strides = array<i32>} : memref<512xf32, #tpu.memory_space<vmem>>, vector<16xf32>,
    %add3A_521 = arith.addf %get3A_518, %get3A_520 : vector<16xf32>
    %get3A_522 = arith.constant 320 : index
    %get3A_523 = tpu.vector_load %arg15[%get3A_522] {strides = array<i32>} : memref<512xf32, #tpu.memory_space<vmem>>, vector<16xf32>,
    %add3A_524 = arith.addf %add3A_521, %get3A_523 : vector<16xf32>
    %add3A_525 = arith.addf %add3A_524, %get3A_292 : vector<16xf32>
    %swap3A_526 = arith.constant 320 : index
    %swap3A_527 = tpu.vector_load %arg16[%swap3A_526] {strides = array<i32>} : memref<512xf32, #tpu.memory_space<vmem>>, vector<16xf32>,
    tpu.vector_store %arg16[%swap3A_526], %add3A_525 {strides = array<i32>} : memref<512xf32, #tpu.memory_space<vmem>>, vector<16xf32>,
    %get3A_528 = arith.constant 336 : index
    %get3A_529 = tpu.vector_load %arg16[%get3A_528] {strides = array<i32>} : memref<512xf32, #tpu.memory_space<vmem>>, vector<16xf32>,
    %get3A_530 = arith.constant 336 : index
    %get3A_531 = tpu.vector_load %arg14[%get3A_530] {strides = array<i32>} : memref<512xf32, #tpu.memory_space<vmem>>, vector<16xf32>,
    %add3A_532 = arith.addf %get3A_529, %get3A_531 : vector<16xf32>
    %get3A_533 = arith.constant 336 : index
    %get3A_534 = tpu.vector_load %arg15[%get3A_533] {strides = array<i32>} : memref<512xf32, #tpu.memory_space<vmem>>, vector<16xf32>,
    %add3A_535 = arith.addf %add3A_532, %get3A_534 : vector<16xf32>
    %add3A_536 = arith.addf %add3A_535, %get3A_292 : vector<16xf32>
    %swap3A_537 = arith.constant 336 : index
    %swap3A_538 = tpu.vector_load %arg16[%swap3A_537] {strides = array<i32>} : memref<512xf32, #tpu.memory_space<vmem>>, vector<16xf32>,
    tpu.vector_store %arg16[%swap3A_537], %add3A_536 {strides = array<i32>} : memref<512xf32, #tpu.memory_space<vmem>>, vector<16xf32>,
    %get3A_539 = arith.constant 352 : index
    %get3A_540 = tpu.vector_load %arg16[%get3A_539] {strides = array<i32>} : memref<512xf32, #tpu.memory_space<vmem>>, vector<16xf32>,
    %get3A_541 = arith.constant 352 : index
    %get3A_542 = tpu.vector_load %arg14[%get3A_541] {strides = array<i32>} : memref<512xf32, #tpu.memory_space<vmem>>, vector<16xf32>,
    %add3A_543 = arith.addf %get3A_540, %get3A_542 : vector<16xf32>
    %get3A_544 = arith.constant 352 : index
    %get3A_545 = tpu.vector_load %arg15[%get3A_544] {strides = array<i32>} : memref<512xf32, #tpu.memory_space<vmem>>, vector<16xf32>,
    %add3A_546 = arith.addf %add3A_543, %get3A_545 : vector<16xf32>
    %add3A_547 = arith.addf %add3A_546, %get3A_292 : vector<16xf32>
    %swap3A_548 = arith.constant 352 : index
    %swap3A_549 = tpu.vector_load %arg16[%swap3A_548] {strides = array<i32>} : memref<512xf32, #tpu.memory_space<vmem>>, vector<16xf32>,
    tpu.vector_store %arg16[%swap3A_548], %add3A_547 {strides = array<i32>} : memref<512xf32, #tpu.memory_space<vmem>>, vector<16xf32>,
    %get3A_550 = arith.constant 368 : index
    %get3A_551 = tpu.vector_load %arg16[%get3A_550] {strides = array<i32>} : memref<512xf32, #tpu.memory_space<vmem>>, vector<16xf32>,
    %get3A_552 = arith.constant 368 : index
    %get3A_553 = tpu.vector_load %arg14[%get3A_552] {strides = array<i32>} : memref<512xf32, #tpu.memory_space<vmem>>, vector<16xf32>,
    %add3A_554 = arith.addf %get3A_551, %get3A_553 : vector<16xf32>
    %get3A_555 = arith.constant 368 : index
    %get3A_556 = tpu.vector_load %arg15[%get3A_555] {strides = array<i32>} : memref<512xf32, #tpu.memory_space<vmem>>, vector<16xf32>,
    %add3A_557 = arith.addf %add3A_554, %get3A_556 : vector<16xf32>
    %add3A_558 = arith.addf %add3A_557, %get3A_292 : vector<16xf32>
    %swap3A_559 = arith.constant 368 : index
    %swap3A_560 = tpu.vector_load %arg16[%swap3A_559] {strides = array<i32>} : memref<512xf32, #tpu.memory_space<vmem>>, vector<16xf32>,
    tpu.vector_store %arg16[%swap3A_559], %add3A_558 {strides = array<i32>} : memref<512xf32, #tpu.memory_space<vmem>>, vector<16xf32>,
    %get3A_561 = arith.constant 384 : index
    %get3A_562 = tpu.vector_load %arg16[%get3A_561] {strides = array<i32>} : memref<512xf32, #tpu.memory_space<vmem>>, vector<16xf32>,
    %get3A_563 = arith.constant 384 : index
    %get3A_564 = tpu.vector_load %arg14[%get3A_563] {strides = array<i32>} : memref<512xf32, #tpu.memory_space<vmem>>, vector<16xf32>,
    %add3A_565 = arith.addf %get3A_562, %get3A_564 : vector<16xf32>
    %get3A_566 = arith.constant 384 : index
    %get3A_567 = tpu.vector_load %arg15[%get3A_566] {strides = array<i32>} : memref<512xf32, #tpu.memory_space<vmem>>, vector<16xf32>,
    %add3A_568 = arith.addf %add3A_565, %get3A_567 : vector<16xf32>
    %add3A_569 = arith.addf %add3A_568, %get3A_292 : vector<16xf32>
    %swap3A_570 = arith.constant 384 : index
    %swap3A_571 = tpu.vector_load %arg16[%swap3A_570] {strides = array<i32>} : memref<512xf32, #tpu.memory_space<vmem>>, vector<16xf32>,
    tpu.vector_store %arg16[%swap3A_570], %add3A_569 {strides = array<i32>} : memref<512xf32, #tpu.memory_space<vmem>>, vector<16xf32>,
    %get3A_572 = arith.constant 400 : index
    %get3A_573 = tpu.vector_load %arg16[%get3A_572] {strides = array<i32>} : memref<512xf32, #tpu.memory_space<vmem>>, vector<16xf32>,
    %get3A_574 = arith.constant 400 : index
    %get3A_575 = tpu.vector_load %arg14[%get3A_574] {strides = array<i32>} : memref<512xf32, #tpu.memory_space<vmem>>, vector<16xf32>,
    %add3A_576 = arith.addf %get3A_573, %get3A_575 : vector<16xf32>
    %get3A_577 = arith.constant 400 : index
    %get3A_578 = tpu.vector_load %arg15[%get3A_577] {strides = array<i32>} : memref<512xf32, #tpu.memory_space<vmem>>, vector<16xf32>,
    %add3A_579 = arith.addf %add3A_576, %get3A_578 : vector<16xf32>
    %add3A_580 = arith.addf %add3A_579, %get3A_292 : vector<16xf32>
    %swap3A_581 = arith.constant 400 : index
    %swap3A_582 = tpu.vector_load %arg16[%swap3A_581] {strides = array<i32>} : memref<512xf32, #tpu.memory_space<vmem>>, vector<16xf32>,
    tpu.vector_store %arg16[%swap3A_581], %add3A_580 {strides = array<i32>} : memref<512xf32, #tpu.memory_space<vmem>>, vector<16xf32>,
    %get3A_583 = arith.constant 416 : index
    %get3A_584 = tpu.vector_load %arg16[%get3A_583] {strides = array<i32>} : memref<512xf32, #tpu.memory_space<vmem>>, vector<16xf32>,
    %get3A_585 = arith.constant 416 : index
    %get3A_586 = tpu.vector_load %arg14[%get3A_585] {strides = array<i32>} : memref<512xf32, #tpu.memory_space<vmem>>, vector<16xf32>,
    %add3A_587 = arith.addf %get3A_584, %get3A_586 : vector<16xf32>
    %get3A_588 = arith.constant 416 : index
    %get3A_589 = tpu.vector_load %arg15[%get3A_588] {strides = array<i32>} : memref<512xf32, #tpu.memory_space<vmem>>, vector<16xf32>,
    %add3A_590 = arith.addf %add3A_587, %get3A_589 : vector<16xf32>
    %add3A_591 = arith.addf %add3A_590, %get3A_292 : vector<16xf32>
    %swap3A_592 = arith.constant 416 : index
    %swap3A_593 = tpu.vector_load %arg16[%swap3A_592] {strides = array<i32>} : memref<512xf32, #tpu.memory_space<vmem>>, vector<16xf32>,
    tpu.vector_store %arg16[%swap3A_592], %add3A_591 {strides = array<i32>} : memref<512xf32, #tpu.memory_space<vmem>>, vector<16xf32>,
    %get3A_594 = arith.constant 432 : index
    %get3A_595 = tpu.vector_load %arg16[%get3A_594] {strides = array<i32>} : memref<512xf32, #tpu.memory_space<vmem>>, vector<16xf32>,
    %get3A_596 = arith.constant 432 : index
    %get3A_597 = tpu.vector_load %arg14[%get3A_596] {strides = array<i32>} : memref<512xf32, #tpu.memory_space<vmem>>, vector<16xf32>,
    %add3A_598 = arith.addf %get3A_595, %get3A_597 : vector<16xf32>
    %get3A_599 = arith.constant 432 : index
    %get3A_600 = tpu.vector_load %arg15[%get3A_599] {strides = array<i32>} : memref<512xf32, #tpu.memory_space<vmem>>, vector<16xf32>,
    %add3A_601 = arith.addf %add3A_598, %get3A_600 : vector<16xf32>
    %add3A_602 = arith.addf %add3A_601, %get3A_292 : vector<16xf32>
    %swap3A_603 = arith.constant 432 : index
    %swap3A_604 = tpu.vector_load %arg16[%swap3A_603] {strides = array<i32>} : memref<512xf32, #tpu.memory_space<vmem>>, vector<16xf32>,
    tpu.vector_store %arg16[%swap3A_603], %add3A_602 {strides = array<i32>} : memref<512xf32, #tpu.memory_space<vmem>>, vector<16xf32>,
    %get3A_605 = arith.constant 448 : index
    %get3A_606 = tpu.vector_load %arg16[%get3A_605] {strides = array<i32>} : memref<512xf32, #tpu.memory_space<vmem>>, vector<16xf32>,
    %get3A_607 = arith.constant 448 : index
    %get3A_608 = tpu.vector_load %arg14[%get3A_607] {strides = array<i32>} : memref<512xf32, #tpu.memory_space<vmem>>, vector<16xf32>,
    %add3A_609 = arith.addf %get3A_606, %get3A_608 : vector<16xf32>
    %get3A_610 = arith.constant 448 : index
    %get3A_611 = tpu.vector_load %arg15[%get3A_610] {strides = array<i32>} : memref<512xf32, #tpu.memory_space<vmem>>, vector<16xf32>,
    %add3A_612 = arith.addf %add3A_609, %get3A_611 : vector<16xf32>
    %add3A_613 = arith.addf %add3A_612, %get3A_292 : vector<16xf32>
    %swap3A_614 = arith.constant 448 : index
    %swap3A_615 = tpu.vector_load %arg16[%swap3A_614] {strides = array<i32>} : memref<512xf32, #tpu.memory_space<vmem>>, vector<16xf32>,
    tpu.vector_store %arg16[%swap3A_614], %add3A_613 {strides = array<i32>} : memref<512xf32, #tpu.memory_space<vmem>>, vector<16xf32>,
    %get3A_616 = arith.constant 464 : index
    %get3A_617 = tpu.vector_load %arg16[%get3A_616] {strides = array<i32>} : memref<512xf32, #tpu.memory_space<vmem>>, vector<16xf32>,
    %get3A_618 = arith.constant 464 : index
    %get3A_619 = tpu.vector_load %arg14[%get3A_618] {strides = array<i32>} : memref<512xf32, #tpu.memory_space<vmem>>, vector<16xf32>,
    %add3A_620 = arith.addf %get3A_617, %get3A_619 : vector<16xf32>
    %get3A_621 = arith.constant 464 : index
    %get3A_622 = tpu.vector_load %arg15[%get3A_621] {strides = array<i32>} : memref<512xf32, #tpu.memory_space<vmem>>, vector<16xf32>,
    %add3A_623 = arith.addf %add3A_620, %get3A_622 : vector<16xf32>
    %add3A_624 = arith.addf %add3A_623, %get3A_292 : vector<16xf32>
    %swap3A_625 = arith.constant 464 : index
    %swap3A_626 = tpu.vector_load %arg16[%swap3A_625] {strides = array<i32>} : memref<512xf32, #tpu.memory_space<vmem>>, vector<16xf32>,
    tpu.vector_store %arg16[%swap3A_625], %add3A_624 {strides = array<i32>} : memref<512xf32, #tpu.memory_space<vmem>>, vector<16xf32>,
    %get3A_627 = arith.constant 480 : index
    %get3A_628 = tpu.vector_load %arg16[%get3A_627] {strides = array<i32>} : memref<512xf32, #tpu.memory_space<vmem>>, vector<16xf32>,
    %get3A_629 = arith.constant 480 : index
    %get3A_630 = tpu.vector_load %arg14[%get3A_629] {strides = array<i32>} : memref<512xf32, #tpu.memory_space<vmem>>, vector<16xf32>,
    %add3A_631 = arith.addf %get3A_628, %get3A_630 : vector<16xf32>
    %get3A_632 = arith.constant 480 : index
    %get3A_633 = tpu.vector_load %arg15[%get3A_632] {strides = array<i32>} : memref<512xf32, #tpu.memory_space<vmem>>, vector<16xf32>,
    %add3A_634 = arith.addf %add3A_631, %get3A_633 : vector<16xf32>
    %add3A_635 = arith.addf %add3A_634, %get3A_292 : vector<16xf32>
    %swap3A_636 = arith.constant 480 : index
    %swap3A_637 = tpu.vector_load %arg16[%swap3A_636] {strides = array<i32>} : memref<512xf32, #tpu.memory_space<vmem>>, vector<16xf32>,
    tpu.vector_store %arg16[%swap3A_636], %add3A_635 {strides = array<i32>} : memref<512xf32, #tpu.memory_space<vmem>>, vector<16xf32>,
    %get3A_638 = arith.constant 496 : index
    %get3A_639 = tpu.vector_load %arg16[%get3A_638] {strides = array<i32>} : memref<512xf32, #tpu.memory_space<vmem>>, vector<16xf32>,
    %get3A_640 = arith.constant 496 : index
    %get3A_641 = tpu.vector_load %arg14[%get3A_640] {strides = array<i32>} : memref<512xf32, #tpu.memory_space<vmem>>, vector<16xf32>,
    %add3A_642 = arith.addf %get3A_639, %get3A_641 : vector<16xf32>
    %get3A_643 = arith.constant 496 : index
    %get3A_644 = tpu.vector_load %arg15[%get3A_643] {strides = array<i32>} : memref<512xf32, #tpu.memory_space<vmem>>, vector<16xf32>,
    %add3A_645 = arith.addf %add3A_642, %get3A_644 : vector<16xf32>
    %add3A_646 = arith.addf %add3A_645, %get3A_292 : vector<16xf32>
    %swap3A_647 = arith.constant 496 : index
    %swap3A_648 = tpu.vector_load %arg16[%swap3A_647] {strides = array<i32>} : memref<512xf32, #tpu.memory_space<vmem>>, vector<16xf32>,
    tpu.vector_store %arg16[%swap3A_647], %add3A_646 {strides = array<i32>} : memref<512xf32, #tpu.memory_space<vmem>>, vector<16xf32>,
    "tpu.region"() ({
      %run_scoped3A = tpu.sem_alloc : memref<!tpu.dma_semaphore, #tpu.memory_space<semaphore_mem>>
      %dma_start3A_649 = tpu.memref_slice %arg9[%mul3A_4] : memref<16384xf32, #tpu.memory_space<hbm>> -> memref<512xf32, #tpu.memory_space<hbm>>
      %dma_start3A_650 = tpu.memref_slice %arg9[%mul3A_4] : memref<16384xf32, #tpu.memory_space<hbm>> -> memref<512xf32, #tpu.memory_space<hbm>>
      tpu.enqueue_dma source(%arg16 : memref<512xf32, #tpu.memory_space<vmem>>) target(%dma_start3A_650 : memref<512xf32, #tpu.memory_space<hbm>>) target_semaphore(%run_scoped3A : memref<!tpu.dma_semaphore, #tpu.memory_space<semaphore_mem>>)
      %dma_wait3A_651 = tpu.memref_slice %arg9[%mul3A_4] : memref<16384xf32, #tpu.memory_space<hbm>> -> memref<512xf32, #tpu.memory_space<hbm>>
      %dma_wait3A_652 = tpu.memref_slice %arg9[%mul3A_4] : memref<16384xf32, #tpu.memory_space<hbm>> -> memref<512xf32, #tpu.memory_space<hbm>>
      tpu.wait_dma2 semaphore(%run_scoped3A : memref<!tpu.dma_semaphore, #tpu.memory_space<semaphore_mem>>) src(%arg16 : memref<512xf32, #tpu.memory_space<vmem>>) dst(%dma_wait3A_652 : memref<512xf32, #tpu.memory_space<hbm>>)
      tpu.yield
    }) : () -> ()
    return
  }
}

</mosaic_0001>

<sc_bundles>
// kernel: _run.3.cloned.1.call-start
scs
__scs_entry_jumppad:
0x0: {  	(pc) =	sbr.rel $0x88, $3  }
0x1: {  	(tag) =	ssettag $0x0;
	lr =	simm.s32 $0x1  }
0x2: {  	[smem:$0x3F9A] =	sst lr;
	_ =	strace $0xD0000000  }
0x3: {  	_ = 	snop  }
0x4: {  	_ = 	snop  }
0x5: {  	_ = 	snop  }
0x6: {  	_ = 	snop  }
0x7: {  	_ = 	snop  }
__scs_overlays_trampoline_lowered:
0x8: {  	[smem:$0x3FA9] =	sst s0  }
0x9: {  	[smem:$0x3FAA] =	sst s1  }
0xa: {  	[smem:$0x3FAB] =	sst s2  }
0xb: {  	[smem:$0x3FAC] =	sst s3  }
0xc: {  	[smem:$0x3FAD] =	sst s4  }
0xd: {  	[smem:$0x3FAE] =	sst s5  }
0xe: {  	[smem:$0x3FAF] =	sst s6  }
0xf: {  	[smem:$0x3FB0] =	sst s7  }
0x10: {  	[smem:$0x3FB1] =	sst s8  }
0x11: {  	[smem:$0x3FB2] =	sst s9;
	s0 =	simm.s32 @!p0 $0x0  }
0x12: {  	s1 =	sld [smem:$0x3F98];
	s0 =	simm.s32 @p0 $0x1  }
0x13: {  	[smem:$0x3FB3] =	sst s0;
	s0 =	simm.s32 @!p1 $0x0  }
0x14: {  	s2 =	sld [smem:$0x3F97];
	s0 =	simm.s32 @p1 $0x1  }
0x15: {  	[smem:$0x3FB4] =	sst s0;
	s0 =	simm.s32 @!p2 $0x0  }
0x16: {  	s3 =	sld [smem:$0x3FDB];
	s0 =	simm.s32 @p2 $0x1  }
0x17: {  	s4 =	simm.s32 $0x1BF5;
	[smem:$0x3FB6] =	sst s0  }
0x18: {  	s0 =	sld [smem:$0x3F99];
	_ =	swait.ge [sflag:s4], $0x0  }
0x19: {  	s7 =	sld [smem:$0x3F9A]  }
0x1a: {  	s8 =	sadd.s32 $0xFFFFE003, lr  }
0x1b: {  	s9 =	sadd.s32 $0xFFFFFEF7, lr;
	s5 =	simm.s32 $0xFFFFFFFF;
	p2 =	slt.u32 s8, $0xFFFFF086  }
0x1c: {  	p1 =	slt.u32 s9, $0xF7A;
	s5 =	simm.s32 @!p2 $0x0  }
0x1d: {  	s5 =	simm.s32 @p1 $0x1;
	p0 =	seq.s32 s7, s2  }
0x1e: {  	s7 =	smul.u32 @!p0 $0xF7A, s2;
	p2 =	seq.s32 @!p0 s5, $0x0  }
0x1f: {  	s9 =	smul.u32 $0xF7A, s1;
	s8 =	simm.s32 @!p0 $0x1BF5;
	p2 =	por !p2, p0  }
0x20: {  	[sflag:s8] =	ssyncset.s32 @!p0 $0xFFFFF086;
	s6 =	sadd.s32 @!p0 s3, s7;
	s7 =	simm.s32 @!p0 $0x108  }
0x21: {  	s3 =	sadd.s32 s3, s9;
	s6 =	sadd.s32 @!p0 $0x88, s6;
	s7 =	simm.s32 @p2 $0x1082  }
0x22: {  	[simem:s7], [sflag:s8] =	dma.local @!p0 [hbm:s6], $0xF7A  }
0x23: {  	s9 =	sor.u32 $0xD0000000, s2;
	s6 =	simm.s32 $0x108;
	_ =	swait.ge @!p0 [sflag:s8], $0x0  }
0x24: {  	s3 =	sadd.s32 $0x88, s3;
	s6 =	simm.s32 @!p1 $0x1082;
	[sflag:s4] =	ssyncset.s32 $0xFFFFF086  }
0x25: {  	[simem:s6], [sflag:s4] =	dma.local [hbm:s3], $0xF7A  }
0x26: {  	[smem:$0x3F9A] =	sst s1;
	(tag) =	ssettag s2;
	_ =	strace s9  }
0x27: {  	s1 =	sld [smem:$0x3FAA]  }
0x28: {  	s2 =	sld [smem:$0x3FAB]  }
0x29: {  	s4 =	sld [smem:$0x3FAD]  }
0x2a: {  	p0 =	seq.s32 s5, $0x0;
	s5 =	sld [smem:$0x3FAE]  }
0x2b: {  	s6 =	sld [smem:$0x3FAF]  }
0x2c: {  	s7 =	sld [smem:$0x3FB0]  }
0x2d: {  	s3 =	simm.s32 $0x108;
	s8 =	sld [smem:$0x3FB1]  }
0x2e: {  	s3 =	simm.s32 @!p0 $0x1082;
	s9 =	sld [smem:$0x3FB2]  }
0x2f: {  	lr =	sadd.s32 s0, s3;
	s0 =	sld [smem:$0x3FA9]  }
0x30: {  	s3 =	sld [smem:$0x3FAC]  }
0x31: {  	[smem:$0x3FB5] =	sst s10  }
0x32: {  	s10 =	sld [smem:$0x3FB3];
	_ =	sdelay $0x3  }
0x33: {  	p0 =	seq.s32 s10, $0x1;
	s10 =	sld [smem:$0x3FB5];
	_ =	sdelay $0x3  }
0x34: {  	[smem:$0x3FB5] =	sst s10  }
0x35: {  	s10 =	sld [smem:$0x3FB4];
	_ =	sdelay $0x3  }
0x36: {  	p1 =	seq.s32 s10, $0x1;
	s10 =	sld [smem:$0x3FB5];
	_ =	sdelay $0x3  }
0x37: {  	[smem:$0x3FB5] =	sst s10  }
0x38: {  	s10 =	sld [smem:$0x3FB6]  }
0x39: {  	_ = 	snop;
	(pc) =	sbr.ind lr, $3  }
0x3a: {  	_ = 	snop  }
0x3b: {  	_ = 	snop  }
0x3c: {  	p2 =	seq.s32 s10, $0x1;
	s10 =	sld [smem:$0x3FB5]  }
0x3d: {  	_ =	shalt  }
0x3e: {  	_ =	shalt  }
0x3f: {  	_ =	shalt  }
0x40: {  	_ =	shalt  }
0x41: {  	_ =	shalt  }
0x42: {  	_ =	shalt  }
0x43: {  	_ =	shalt  }
0x44: {  	_ =	shalt  }
0x45: {  	_ =	shalt  }
0x46: {  	_ =	shalt  }
0x47: {  	_ =	shalt  }
0x48: {  	_ =	shalt  }
0x49: {  	_ =	shalt  }
0x4a: {  	_ =	shalt  }
0x4b: {  	_ =	shalt  }
0x4c: {  	_ =	shalt  }
0x4d: {  	_ =	shalt  }
0x4e: {  	_ =	shalt  }
0x4f: {  	_ =	shalt  }
0x50: {  	_ =	shalt  }
0x51: {  	_ =	shalt  }
0x52: {  	_ =	shalt  }
0x53: {  	_ =	shalt  }
0x54: {  	_ =	shalt  }
0x55: {  	_ =	shalt  }
0x56: {  	_ =	shalt  }
0x57: {  	_ =	shalt  }
0x58: {  	_ =	shalt  }
0x59: {  	_ =	shalt  }
0x5a: {  	_ =	shalt  }
0x5b: {  	_ =	shalt  }
0x5c: {  	_ =	shalt  }
0x5d: {  	_ =	shalt  }
0x5e: {  	_ =	shalt  }
0x5f: {  	_ =	shalt  }
0x60: {  	_ =	shalt  }
0x61: {  	_ =	shalt  }
0x62: {  	_ =	shalt  }
0x63: {  	_ =	shalt  }
0x64: {  	_ =	shalt  }
0x65: {  	_ =	shalt  }
0x66: {  	_ =	shalt  }
0x67: {  	_ =	shalt  }
0x68: {  	_ =	shalt  }
0x69: {  	_ =	shalt  }
0x6a: {  	_ =	shalt  }
0x6b: {  	_ =	shalt  }
0x6c: {  	_ =	shalt  }
0x6d: {  	_ =	shalt  }
0x6e: {  	_ =	shalt  }
0x6f: {  	_ =	shalt  }
0x70: {  	_ =	shalt  }
0x71: {  	_ =	shalt  }
0x72: {  	_ =	shalt  }
0x73: {  	_ =	shalt  }
0x74: {  	_ =	shalt  }
0x75: {  	_ =	shalt  }
0x76: {  	_ =	shalt  }
0x77: {  	_ =	shalt  }
0x78: {  	_ =	shalt  }
0x79: {  	_ =	shalt  }
0x7a: {  	_ =	shalt  }
0x7b: {  	_ =	shalt  }
0x7c: {  	_ =	shalt  }
0x7d: {  	_ =	shalt  }
0x7e: {  	_ =	shalt  }
0x7f: {  	_ =	shalt  }
0x80: {  	_ =	shalt  }
0x81: {  	_ =	shalt  }
0x82: {  	_ =	shalt  }
0x83: {  	_ =	shalt  }
0x84: {  	_ =	shalt  }
0x85: {  	_ =	shalt  }
0x86: {  	_ =	shalt  }
0x87: {  	_ =	shalt  }
.Lfunc_end0:
.L_simem_size_0:
called_computation_lowered:
.L_overlay_start_0:
0x88: {  	s2 =	sld [smem:$0x3FD9]  }
0x89: {  	s3 =	sld [smem:$0x3FFE];
	_ =	sdelay $0x1  }
0x8a: {  	s1 =	srdreg.scid  }
0x8b: {  	s0 =	sand.u32 $0x1, s1  }
0x8c: {  	s17 =	sshll.u32 s0, $0xA;
	s2 =	sadd.s32 s3, s2  }
0x8d: {  	s2 =	sadd.s32 s2, s17  }
0x8e: {  	[smem:$0x3FC1] =	sst s2  }
0x8f: {  	_ = 	snop  }
0x90: {  	s2 =	sld [smem:$0x3FC9]  }
0x91: {  	s18 =	sld [smem:$0x3FC8]  }
0x92: {  	s4 =	sld [smem:$0x3FC5]  }
0x93: {  	s5 =	sld [smem:$0x3FC4]  }
0x94: {  	s6 =	sld [smem:$0x3FC3]  }
0x95: {  	s7 =	sld [smem:$0x3FD0];
	(tm) =	ssettm $0x1  }
0x96: {  	s8 =	sld [smem:$0x3FFB];
	_ =	sdelay $0x3  }
0x97: {  	_ =	strace s8  }
0x98: {  	s8 =	sld [smem:$0x3FFC];
	_ =	sdelay $0x3  }
0x99: {  	_ =	strace s8  }
0x9a: {  	s8 =	sld [smem:$0x3FFD];
	_ =	sdelay $0x3  }
0x9b: {  	_ =	strace s8  }
0x9c: {  	_ =	strace $0x8FFFFFFF  }
0x9d: {  	s19 =	sld [smem:$0x3FDB];
	_ =	sdelay $0x1  }
0x9e: {  	s9 =	simm.s32 $_scs_section_size  }
0x9f: {  	s10 =	simm.s32 $_size__tile_overlayer_lowered;
	s11 =	simm.s32 $_tile_overlayer_lowered  }
0xa0: {  	s22 =	simm.s32 $0x1BFF;
	s21 =	sshll.u32 s11, $0x1;
	s8 =	sadd.s32 s9, s19  }
0xa1: {  	s12 =	simm.s32 $0x0;
	s20 =	sshll.u32 s10, $0x1;
	s10 =	sadd.s32 s21, s8  }
0xa2: {  	[timem:s12], [sflag:s22] =	dma.local [hbm:s10], s20  }
0xa3: {  	_ =	swait.ge [sflag:s22], s20  }
0xa4: {  	s9 =	ssub.s32 $0x0, s20;
	[sflag:s22] =	ssyncset.done $0x0  }
0xa5: {  	[sflag:s22] =	ssyncadd.s32 s9;
	_ =	sdelay $0x1  }
0xa6: {  	s23 =	simm.s32 $0x1B8B  }
0xa7: {  	_ =	swait.ge [sflag:s23], $0x1  }
0xa8: {  	[sflag:s23] =	ssyncset.done $0x0  }
0xa9: {  	s25 =	simm.s32 $0x1B8E;
	s24 =	sld [smem:$0x3FFE];
	[sflag:s23] =	ssyncadd.s32 $0xFFFFFFFF  }
0xaa: {  	s26 =	simm.s32 $execute0_lowered;
	[smem:$0x3FD2] =	sst s25  }
0xab: {  	s10 =	sshll.u32 s26, $0x1;
	_ =	strace $0x80000046;
	[dreg:$0x1] =	wrdreg $0xFFFFFFFF  }
0xac: {  	s28 =	simm.s32 $_size_execute0_lowered;
	s8 =	sadd.s32 s8, s10;
	[dreg:$0x0] =	wrdreg $0x0  }
0xad: {  	s10 =	sshll.u32 s28, $0x1;
	[dreg:$0x2] =	wrdreg s8  }
0xae: {  	[dreg:$0x3] =	wrdreg s10  }
0xaf: {  	[dreg:$0x4] =	wrdreg $0xC0  }
0xb0: {  	_ =	task [dreg:s12], $0x5FFFF  }
0xb1: {  	[dreg:$0x1] =	wrdreg $0xFFFFFFFF  }
0xb2: {  	[dreg:$0x0] =	wrdreg $0x60  }
0xb3: {  	[dreg:$0x2] =	wrdreg s2  }
0xb4: {  	[dreg:$0x3] =	wrdreg s18  }
0xb5: {  	[dreg:$0x4] =	wrdreg s24  }
0xb6: {  	[dreg:$0x5] =	wrdreg s4  }
0xb7: {  	[dreg:$0x6] =	wrdreg s5  }
0xb8: {  	[dreg:$0x7] =	wrdreg s6  }
0xb9: {  	[dreg:$0x8] =	wrdreg s7  }
0xba: {  	[dreg:$0x9] =	wrdreg $0x9  }
0xbb: {  	_ =	task.clear_ibuf [dreg:s12], $0xAFFFF;
	_ =	strace $0x90000046  }
0xbc: {  	s29 =	simm.s32 $0x9;
	_ =	strace $0x80000048  }
0xbd: {  	_ =	swait.ge [sflag:s29], $0x1  }
0xbe: {  	[sflag:s29] =	ssyncadd.s32 $0xFFFFFFFF  }
0xbf: {  	_ =	strace $0x90000048  }
0xc0: {  	_ =	sfence  }
0xc1: {  	s30 =	sld [smem:$0x0];
	_ =	sdelay $0x2  }
0xc2: {  	s31 =	sshll.u32 s1, $0xD;
	s1 =	sshrl.u32 s1, $0x2  }
0xc3: {  	s3 =	sand.u32 $0x4000, s31;
	s1 =	sadd.s32 s1, s30  }
0xc4: {  	s0 =	sor.u32 s3, s0;
	s1 =	sshll.u32 s1, $0x11  }
0xc5: {  	s0 =	sor.u32 s1, s0  }
0xc6: {  	s0 =	sadd.s32 $0x8F2B, s0  }
0xc7: {  	[sflag:s0] =	ssyncadd.remote.s32 $0x1  }
0xc8: {  	_ =	sfence.sel $0xFFFF  }
0xc9: {  	[dreg:$0x0] =	wrdreg $0xFFFFFFFF;
	(pc) =	sbr.abs _section_cstart, $3  }
0xca: {  	[dreg:$0x1] =	wrdreg $0xFFFFFFFF  }
0xcb: {  	_ =	task.clear_ibuf [dreg:s12], $0x2FFFF;
	_ =	strace $0x9FFFFFFF  }
0xcc: {  	(tm) =	ssettm $0x7FFFFFFF  }
0xcd: {  	_ =	shalt  }
tec
execute0_lowered:
.L_overlay_start_1:
0x0: {  	(tag) =	ssettag $0x1  }
0x1: {  	s0 =	rddreg [dreg:$0x0]  }
0x2: {  	s3 =	rddreg [dreg:$0x1]  }
0x3: {  	s5 =	rddreg [dreg:$0x2]  }
0x4: {  	s1 =	rddreg [dreg:$0x3]  }
0x5: {  	s2 =	rddreg [dreg:$0x4]  }
0x6: {  	s10 =	rddreg [dreg:$0x6];
	s4 =	simm.s32 $0x0  }
0x7: {  	s7 =	srdreg.scid;
	s9 =	stileid.u32;
	s12 =	simm.s32 $0x2  }
0x8: {  	s13 =	simm.s32 $0x200;
	s15 =	simm.s32 $0x80;
	s21 =	simm.s32 $0x280  }
0x9: {  	s25 =	simm.s32 $0x100;
	s28 =	simm.s32 $0x300;
	s29 =	simm.s32 $0x6400  }
0xa: {  	s30 =	simm.s32 $0x8500;
	s31 =	simm.s32 $0x8700;
	s14 =	simm.s32 $0x7400  }
0xb: {  	s16 =	simm.s32 $0x8580;
	s17 =	simm.s32 $0x8780;
	s18 =	simm.s32 $0x1  }
0xc: {  	s19 =	simm.s32 $0x8800;
	s20 =	simm.s32 $0x0;
	[smem:$0x7FF] =	sst s4  }
0xd: {  	s6 =	sadd.s32 $0xF42800, s5;
	s7 =	sand.u32 $0x1, s7;
	s9 =	sshll.u32 s9, $0x7  }
0xe: {  	vm0 =	vmmov $0x1;
	vm1 =	vmmov $0x3;
	vm2 =	vmmov $0x7;
	_ =	strace $0x80000047;
	s8 =	ssub.s32 $0x2, s7;
	s11 =	sshll.u32 s7, $0x6  }
0xf: {  	vm3 =	vmmov $0xf;
	vm4 =	vmmov $0x1f;
	vm5 =	vmmov $0x3f;
	s7 =	sadd.s32 $0x1313200, s5;
	s26 =	sshrl.u32 s8, $0x1;
	s11 =	sor.u32 s11, s9  }
0x10: {  	vm6 =	vmmov $0x7f;
	vm7 =	vmmov $0xff;
	vm8 =	vmmov $0x1ff;
	s5 =	ssub.s32 s8, s26;
	s8 =	sadd.s32 s0, s11;
	s9 =	sadd.s32 s3, s11  }
0x11: {  	vm9 =	vmmov $0x3ff;
	vm10 =	vmmov $0x7ff;
	vm11 =	vmmov $0xfff;
	s10 =	sadd.s32 s10, s11;
	s26 =	simm.s32 $0x2400;
	s0 =	simm.s32 $0x180  }
0x12: {  	vm12 =	vmmov $0x1fff;
	vm13 =	vmmov $0x3fff;
	vm14 =	vmmov $0x7fff;
	s3 =	simm.s32 $0x380;
	s11 =	smax.u32 s5, $0x1;
	s5 =	simm.s32 $0x3400  }
.LBB2_1:
0x13: {  	[tilespmem:s4], [sflag:$0x2] =	stream.linear.gather [hbm4b:s8+s4], $0x200, $0x38;
	[tilespmem:$0x8A10] =	vst v63  }
0x14: {  	_ =	swait.ge [sflag:s12], $0x200  }
0x15: {  	[sflag:s12] =	ssyncset.done $0x0  }
0x16: {  	[sflag:s12] =	ssyncadd.s32 $0xFFFFFE00  }
0x17: {  	[tilespmem:s13], [sflag:$0x2] =	stream.linear.gather [hbm4b:s9+s4], $0x200, $0x38;
	[tilespmem:$0x8A10] =	vst v63  }
0x18: {  	_ =	swait.ge [sflag:s12], $0x200  }
0x19: {  	[sflag:s12] =	ssyncset.done $0x0  }
0x1a: {  	[sflag:s12] =	ssyncadd.s32 $0xFFFFFE00  }
0x1b: {  	s23 =	simm.s32 $0x8A00;
	s22 =	rddreg [dreg:$0x5]  }
0x1c: {  	[tilespmem:s23], [sflag:$0x2] =	stream.linear.gather [hbm4b:s22+s4], $0x10, $0x38;
	[tilespmem:$0x8A10] =	vst v63  }
0x1d: {  	_ =	swait.ge [sflag:s12], $0x10  }
0x1e: {  	[sflag:s12] =	ssyncset.done $0x0  }
0x1f: {  	s24 =	simm.s32 $0x400;
	[sflag:s12] =	ssyncadd.s32 $0xFFFFFFF0  }
0x20: {  	[tilespmem:s24], [sflag:$0x1] =	stream.indirect.gather [hbm4b:s6+s15], $0x20, s4, s15, $0xb8;
	[tilespmem:$0x8A10] =	vst v63  }
0x21: {  	s23 =	simm.s32 $0x4400  }
0x22: {  	[tilespmem:s23], [sflag:$0x1] =	stream.indirect.gather [hbm4b:s7+s15], $0x20, s13, s15, $0xb8;
	[tilespmem:$0x8A10] =	vst v63  }
0x23: {  	s24 =	simm.s32 $0x8400  }
0x24: {  	[tilespmem:s24], [sflag:$0x1] =	stream.indirect.gather [hbm4b:s1+s15], $0x1, s4, s15, $0xb8;
	[tilespmem:$0x8A10] =	vst v63  }
0x25: {  	s23 =	simm.s32 $0x8600  }
0x26: {  	[tilespmem:s23], [sflag:$0x1] =	stream.indirect.gather [hbm4b:s2+s15], $0x1, s13, s15, $0xb8;
	[tilespmem:$0x8A10] =	vst v63  }
0x27: {  	s24 =	simm.s32 $0x1400  }
0x28: {  	[tilespmem:s24], [sflag:$0x1] =	stream.indirect.gather [hbm4b:s6+s15], $0x20, s15, s15, $0xb8;
	[tilespmem:$0x8A10] =	vst v63  }
0x29: {  	s23 =	simm.s32 $0x5400  }
0x2a: {  	[tilespmem:s23], [sflag:$0x1] =	stream.indirect.gather [hbm4b:s7+s15], $0x20, s21, s15, $0xb8;
	[tilespmem:$0x8A10] =	vst v63  }
0x2b: {  	s24 =	simm.s32 $0x8480  }
0x2c: {  	[tilespmem:s24], [sflag:$0x1] =	stream.indirect.gather [hbm4b:s1+s15], $0x1, s15, s15, $0xb8;
	[tilespmem:$0x8A10] =	vst v63  }
0x2d: {  	s23 =	simm.s32 $0x8680  }
0x2e: {  	[tilespmem:s23], [sflag:$0x1] =	stream.indirect.gather [hbm4b:s2+s15], $0x1, s21, s15, $0xb8;
	[tilespmem:$0x8A10] =	vst v63  }
0x2f: {  	_ = 	snop  }
0x30: {  	[tilespmem:s26], [sflag:$0x1] =	stream.indirect.gather [hbm4b:s6+s15], $0x20, s25, s15, $0xb8;
	[tilespmem:$0x8A10] =	vst v63  }
0x31: {  	_ = 	snop  }
0x32: {  	[tilespmem:s29], [sflag:$0x1] =	stream.indirect.gather [hbm4b:s7+s15], $0x20, s28, s15, $0xb8;
	[tilespmem:$0x8A10] =	vst v63  }
0x33: {  	_ = 	snop  }
0x34: {  	[tilespmem:s30], [sflag:$0x1] =	stream.indirect.gather [hbm4b:s1+s15], $0x1, s25, s15, $0xb8;
	[tilespmem:$0x8A10] =	vst v63  }
0x35: {  	_ = 	snop  }
0x36: {  	[tilespmem:s31], [sflag:$0x1] =	stream.indirect.gather [hbm4b:s2+s15], $0x1, s28, s15, $0xb8;
	[tilespmem:$0x8A10] =	vst v63  }
0x37: {  	_ = 	snop  }
0x38: {  	[tilespmem:s5], [sflag:$0x1] =	stream.indirect.gather [hbm4b:s6+s15], $0x20, s0, s15, $0xb8;
	[tilespmem:$0x8A10] =	vst v63  }
0x39: {  	_ = 	snop  }
0x3a: {  	[tilespmem:s14], [sflag:$0x1] =	stream.indirect.gather [hbm4b:s7+s15], $0x20, s3, s15, $0xb8;
	[tilespmem:$0x8A10] =	vst v63  }
0x3b: {  	_ = 	snop  }
0x3c: {  	[tilespmem:s16], [sflag:$0x1] =	stream.indirect.gather [hbm4b:s1+s15], $0x1, s0, s15, $0xb8;
	[tilespmem:$0x8A10] =	vst v63  }
0x3d: {  	_ = 	snop  }
0x3e: {  	[tilespmem:s17], [sflag:$0x1] =	stream.indirect.gather [hbm4b:s2+s15], $0x1, s3, s15, $0xb8;
	[tilespmem:$0x8A10] =	vst v63  }
0x3f: {  	_ =	swait.ge [sflag:s18], $0x1000  }
0x40: {  	[sflag:s18] =	ssyncset.done $0x0  }
0x41: {  	[sflag:s18] =	ssyncadd.s32 $0xFFFFF000  }
0x42: {  	_ =	swait.ge [sflag:s18], $0x1000  }
0x43: {  	[sflag:s18] =	ssyncset.done $0x0  }
0x44: {  	[sflag:s18] =	ssyncadd.s32 $0xFFFFF000  }
0x45: {  	_ =	swait.ge [sflag:s18], $0x80  }
0x46: {  	[sflag:s18] =	ssyncset.done $0x0  }
0x47: {  	[sflag:s18] =	ssyncadd.s32 $0xFFFFFF80  }
0x48: {  	_ =	swait.ge [sflag:s18], $0x80  }
0x49: {  	[sflag:s18] =	ssyncset.done $0x0  }
0x4a: {  	[sflag:s18] =	ssyncadd.s32 $0xFFFFFF80  }
0x4b: {  	_ =	swait.ge [sflag:s18], $0x1000  }
0x4c: {  	[sflag:s18] =	ssyncset.done $0x0  }
0x4d: {  	[sflag:s18] =	ssyncadd.s32 $0xFFFFF000  }
0x4e: {  	_ =	swait.ge [sflag:s18], $0x1000  }
0x4f: {  	[sflag:s18] =	ssyncset.done $0x0  }
0x50: {  	[sflag:s18] =	ssyncadd.s32 $0xFFFFF000  }
0x51: {  	_ =	swait.ge [sflag:s18], $0x80  }
0x52: {  	[sflag:s18] =	ssyncset.done $0x0  }
0x53: {  	[sflag:s18] =	ssyncadd.s32 $0xFFFFFF80  }
0x54: {  	_ =	swait.ge [sflag:s18], $0x80  }
0x55: {  	[sflag:s18] =	ssyncset.done $0x0  }
0x56: {  	[sflag:s18] =	ssyncadd.s32 $0xFFFFFF80  }
0x57: {  	_ =	swait.ge [sflag:s18], $0x1000  }
0x58: {  	[sflag:s18] =	ssyncset.done $0x0  }
0x59: {  	[sflag:s18] =	ssyncadd.s32 $0xFFFFF000  }
0x5a: {  	_ =	swait.ge [sflag:s18], $0x1000  }
0x5b: {  	[sflag:s18] =	ssyncset.done $0x0  }
0x5c: {  	[sflag:s18] =	ssyncadd.s32 $0xFFFFF000  }
0x5d: {  	_ =	swait.ge [sflag:s18], $0x80  }
0x5e: {  	[sflag:s18] =	ssyncset.done $0x0  }
0x5f: {  	[sflag:s18] =	ssyncadd.s32 $0xFFFFFF80  }
0x60: {  	_ =	swait.ge [sflag:s18], $0x80  }
0x61: {  	[sflag:s18] =	ssyncset.done $0x0  }
0x62: {  	[sflag:s18] =	ssyncadd.s32 $0xFFFFFF80  }
0x63: {  	_ =	swait.ge [sflag:s18], $0x1000  }
0x64: {  	[sflag:s18] =	ssyncset.done $0x0  }
0x65: {  	[sflag:s18] =	ssyncadd.s32 $0xFFFFF000  }
0x66: {  	_ =	swait.ge [sflag:s18], $0x1000  }
0x67: {  	[sflag:s18] =	ssyncset.done $0x0  }
0x68: {  	[sflag:s18] =	ssyncadd.s32 $0xFFFFF000  }
0x69: {  	_ =	swait.ge [sflag:s18], $0x80  }
0x6a: {  	[sflag:s18] =	ssyncset.done $0x0  }
0x6b: {  	[sflag:s18] =	ssyncadd.s32 $0xFFFFFF80  }
0x6c: {  	_ =	swait.ge [sflag:s18], $0x80  }
0x6d: {  	[sflag:s18] =	ssyncset.done $0x0  }
0x6e: {  	s24 =	simm.s32 $0x0;
	[sflag:s18] =	ssyncadd.s32 $0xFFFFFF80  }
0x6f: {  	v0 =	vld [tilespmem:s24+$0x5C0]  }
0x70: {  	v1 =	vld [tilespmem:s24+$0x45C0]  }
0x71: {  	v2 =	vld [tilespmem:s24+$0x5D0]  }
0x72: {  	v3 =	vld [tilespmem:s24+$0x45D0]  }
0x73: {  	v4 =	vld [tilespmem:s24+$0x5A0]  }
0x74: {  	v5 =	vld [tilespmem:s24+$0x580]  }
0x75: {  	v6 =	vld [tilespmem:s24+$0x4580]  }
0x76: {  	v7 =	vld [tilespmem:s24+$0x590]  }
0x77: {  	v8 =	vld [tilespmem:s24+$0x4590]  }
0x78: {  	v9 =	vld [tilespmem:s24+$0x560]  }
0x79: {  	v10 =	vld [tilespmem:s24+$0x4560]  }
0x7a: {  	v11 =	vld [tilespmem:s24+$0x570]  }
0x7b: {  	v12 =	vld [tilespmem:s24+$0x4570]  }
0x7c: {  	v13 =	vld [tilespmem:s24+$0x540]  }
0x7d: {  	v14 =	vld [tilespmem:s24+$0x520]  }
0x7e: {  	v15 =	vld [tilespmem:s24+$0x4520]  }
0x7f: {  	v16 =	vld [tilespmem:s24+$0x530]  }
0x80: {  	v17 =	vld [tilespmem:s24+$0x4530]  }
0x81: {  	v18 =	vld [tilespmem:s24+$0x500]  }
0x82: {  	v19 =	vld [tilespmem:s24+$0x4500]  }
0x83: {  	v20 =	vld [tilespmem:s24+$0x510]  }
0x84: {  	v21 =	vld [tilespmem:s24+$0x4510]  }
0x85: {  	v22 =	vld [tilespmem:s24+$0x4E0]  }
0x86: {  	v23 =	vld [tilespmem:s24+$0x4C0]  }
0x87: {  	v24 =	vld [tilespmem:s24+$0x44C0]  }
0x88: {  	v25 =	vld [tilespmem:s24+$0x4D0]  }
0x89: {  	v26 =	vld [tilespmem:s24+$0x44D0]  }
0x8a: {  	v27 =	vld [tilespmem:s24+$0x4A0]  }
0x8b: {  	v28 =	vld [tilespmem:s24+$0x44A0]  }
0x8c: {  	v29 =	vld [tilespmem:s24+$0x4B0]  }
0x8d: {  	v30 =	vld [tilespmem:s24+$0x44B0]  }
0x8e: {  	v31 =	vld [tilespmem:s24+$0x480]  }
0x8f: {  	v32 =	vld [tilespmem:s24+$0x460]  }
0x90: {  	v33 =	vld [tilespmem:s24+$0x4460]  }
0x91: {  	v34 =	vld [tilespmem:s24+$0x470]  }
0x92: {  	v35 =	vld [tilespmem:s24+$0x4470]  }
0x93: {  	v36 =	vld [tilespmem:s24+$0x440]  }
0x94: {  	v37 =	vld [tilespmem:s24+$0x4440]  }
0x95: {  	v38 =	vld [tilespmem:s24+$0x450]  }
0x96: {  	v39 =	vld [tilespmem:s24+$0x4450]  }
0x97: {  	v40 =	vld [tilespmem:s24+$0x4400]  }
0x98: {  	v41 =	vld [tilespmem:s24+$0x400]  }
0x99: {  	v0 =	vmul.f32 v1, v0;
	v1 =	vmul.f32 v3, v2;
	v2 =	vld [tilespmem:s24+$0x410]  }
0x9a: {  	v3 =	vmul.f32 v6, v5;
	v5 =	vmul.f32 v8, v7;
	v6 =	vld [tilespmem:s24+$0x4410]  }
0x9b: {  	v7 =	vmul.f32 v12, v11;
	v8 =	vld [tilespmem:s24+$0x420];
	v0 =	vadd.f32 v1, v0;
	v1 =	vmul.f32 v10, v9  }
0x9c: {  	v11 =	vld [tilespmem:s24+$0x430];
	v3 =	vadd.f32 v5, v3;
	v5 =	vmul.f32 v15, v14;
	v9 =	vmul.f32 v17, v16  }
0x9d: {  	v12 =	vld [tilespmem:s24+$0x4430];
	(xrf2) =	vadd.scan.msk.f32 $0xffff, v0;
	v0 =	vadd.f32 v7, v1;
	v1 =	vmul.f32 v19, v18;
	v7 =	vmul.f32 v21, v20  }
0x9e: {  	v10 =	vld [tilespmem:s24+$0x4420];
	(xrf2) =	vadd.scan.msk.f32 $0xffff, v3;
	v3 =	vadd.f32 v9, v5;
	v5 =	vmul.f32 v24, v23;
	v9 =	vmul.f32 v26, v25  }
0x9f: {  	v14 =	vld [tilespmem:s24+$0x4480];
	(xrf2) =	vadd.scan.msk.f32 $0xffff, v0;
	v0 =	vadd.f32 v7, v1;
	v1 =	vmul.f32 v28, v27;
	v7 =	vmul.f32 v30, v29  }
0xa0: {  	v15 =	vld [tilespmem:s24+$0x490];
	(xrf2) =	vadd.scan.msk.f32 $0xffff, v3;
	v3 =	vadd.f32 v9, v5;
	v5 =	vmul.f32 v33, v32;
	v9 =	vmul.f32 v35, v34  }
0xa1: {  	v16 =	vld [tilespmem:s24+$0x4490];
	(xrf2) =	vadd.scan.msk.f32 $0xffff, v0;
	v0 =	vadd.f32 v7, v1;
	v1 =	vmul.f32 v37, v36;
	v7 =	vmul.f32 v39, v38  }
0xa2: {  	v2 =	vmul.f32 v6, v2;
	v6 =	vld [tilespmem:s24+$0x44E0];
	(xrf2) =	vadd.scan.msk.f32 $0xffff, v3;
	v3 =	vadd.f32 v9, v5  }
0xa3: {  	v5 =	vmul.f32 v40, v41;
	(xrf2) =	vadd.scan.msk.f32 $0xffff, v0;
	v0 =	vadd.f32 v7, v1;
	v1 =	vmul.f32 v10, v8;
	v8 =	vld [tilespmem:s24+$0x4F0]  }
0xa4: {  	v7 =	vmul.f32 v12, v11;
	v10 =	vld [tilespmem:s24+$0x4550]  }
0xa5: {  	(xrf2) =	vadd.scan.msk.f32 $0xffff, v3;
	v2 =	vadd.f32 v2, v5;
	v3 =	vld [tilespmem:s24+$0x44F0]  }
0xa6: {  	(xrf2) =	vadd.scan.msk.f32 $0xffff, v0;
	v0 =	vadd.f32 v7, v1;
	v1 =	vld [tilespmem:s24+$0x4540]  }
0xa7: {  	v5 =	vmul.f32 v16, v15;
	v7 =	vld [tilespmem:s24+$0x550];
	(xrf2) =	vadd.scan.msk.f32 $0xffff, v2;
	v2 =	vmul.f32 v14, v31  }
0xa8: {  	v14 =	vld [tilespmem:s24+$0x45B0]  }
0xa9: {  	v9, _, _ =	vpop (xrf2);
	(xrf2) =	vadd.scan.msk.f32 $0xffff, v0;
	v2 =	vadd.f32 v5, v2;
	v5 =	vld [tilespmem:s24+$0x45A0]  }
0xaa: {  	v6 =	vmul.f32 v6, v22;
	v0, _, _ =	vpop (xrf2);
	v3 =	vmul.f32 v3, v8;
	v8 =	vld [tilespmem:s24+$0x5B0]  }
0xab: {  	v11, _, _ =	vpop (xrf2)  }
0xac: {  	v12, _, _ =	vpop (xrf2);
	v3 =	vadd.f32 v3, v6  }
0xad: {  	(xrf2) =	vadd.scan.msk.f32 $0xffff, v2;
	v2, _, _ =	vpop (xrf2)  }
0xae: {  	v1 =	vmul.f32 v1, v13;
	v7 =	vmul.f32 v10, v7;
	v15, _, _ =	vpop (xrf2)  }
0xaf: {  	v4 =	vmul.f32 v5, v4;
	v13, _, _ =	vpop (xrf2);
	v5 =	vmul.f32 v14, v8  }
0xb0: {  	v10 =	vld [tilespmem:s24+$0x45E0];
	(xrf2) =	vadd.scan.msk.f32 $0xffff, v3;
	v3, _, _ =	vpop (xrf2)  }
0xb1: {  	v6 =	vld [tilespmem:s24+$0x5E0];
	v1 =	vadd.f32 v7, v1;
	v17, _, _ =	vpop (xrf2)  }
0xb2: {  	v16 =	vld [tilespmem:s24+$0x5F0];
	v8, _, _ =	vpop (xrf2)  }
0xb3: {  	v7 =	vld [tilespmem:s24+$0x45F0];
	(xrf2) =	vadd.scan.msk.f32 $0xffff, v1;
	v1 =	vadd.f32 v5, v4;
	v5, _, _ =	vpop (xrf2)  }
0xb4: {  	v5 =	vbroadcast v5, $0xF;
	_ =	sdelay $0x1  }
0xb5: {  	v4 =	vmul.f32 v10, v6;
	v6 =	vbroadcast v8, $0xF  }
0xb6: {  	v8 =	vbroadcast v17, $0xF  }
0xb7: {  	v3 =	vbroadcast v3, $0xF;
	v7 =	vmul.f32 v7, v16;
	(xrf2) =	vadd.scan.msk.f32 $0xffff, v1;
	v1 =	vsel vm0, v6, v5;
	v5, _, _ =	vpop (xrf2)  }
0xb8: {  	v1 =	vsel vm1, v1, v8;
	v5 =	vbroadcast v5, $0xF  }
0xb9: {  	v4 =	vadd.f32 v7, v4;
	v1 =	vsel vm2, v1, v3;
	v3 =	vbroadcast v13, $0xF  }
0xba: {  	v6, _, _ =	vpop (xrf2);
	v1 =	vsel vm3, v1, v5;
	v5 =	vbroadcast v15, $0xF  }
0xbb: {  	v1 =	vsel vm4, v1, v3;
	v3 =	vbroadcast v6, $0xF  }
0xbc: {  	v2 =	vbroadcast v2, $0xF;
	v1 =	vsel vm5, v1, v5  }
0xbd: {  	(xrf2) =	vadd.scan.msk.f32 $0xffff, v4;
	v4, _, _ =	vpop (xrf2);
	v1 =	vsel vm6, v1, v3  }
0xbe: {  	v1 =	vsel vm7, v1, v2;
	v2 =	vbroadcast v4, $0xF  }
0xbf: {  	v3 =	vbroadcast v12, $0xF;
	_ =	sdelay $0x1  }
0xc0: {  	v1 =	vsel vm8, v1, v3  }
0xc1: {  	v3 =	vbroadcast v11, $0xF;
	v1 =	vsel vm9, v1, v2;
	v2, _, _ =	vpop (xrf2)  }
0xc2: {  	v0 =	vbroadcast v0, $0xF;
	v2 =	vbroadcast v2, $0xF  }
0xc3: {  	v1 =	vsel vm10, v1, v3  }
0xc4: {  	v0 =	vsel vm11, v1, v0;
	v1 =	vbroadcast v9, $0xF  }
0xc5: {  	v0 =	vsel vm12, v0, v2  }
0xc6: {  	v1 =	vsel vm13, v0, v1;
	v2, _, _ =	vpop (xrf2)  }
0xc7: {  	v1 =	vsel vm14, v1, v2  }
0xc8: {  	s23 =	simm.s32 $0x200;
	v0 =	vld [tilespmem:$0x8A00];
	[tilespmem:s19+$0x0] =	vst v1  }
0xc9: {  	v3 =	vld [tilespmem:s23+$0x5C0]  }
0xca: {  	v4 =	vld [tilespmem:s23+$0x45C0]  }
0xcb: {  	v6 =	vld [tilespmem:s23+$0x5D0]  }
0xcc: {  	v7 =	vld [tilespmem:s23+$0x45D0]  }
0xcd: {  	v1 =	vld [tilespmem:s23+$0x5A0]  }
0xce: {  	v8 =	vld [tilespmem:s23+$0x580]  }
0xcf: {  	v9 =	vld [tilespmem:s23+$0x4580]  }
0xd0: {  	v10 =	vld [tilespmem:s23+$0x590]  }
0xd1: {  	v11 =	vld [tilespmem:s23+$0x4590]  }
0xd2: {  	v12 =	vld [tilespmem:s23+$0x560]  }
0xd3: {  	v13 =	vld [tilespmem:s23+$0x4560]  }
0xd4: {  	v14 =	vld [tilespmem:s23+$0x570]  }
0xd5: {  	v15 =	vld [tilespmem:s23+$0x4570]  }
0xd6: {  	v2 =	vld [tilespmem:s23+$0x540]  }
0xd7: {  	v16 =	vld [tilespmem:s23+$0x520]  }
0xd8: {  	v17 =	vld [tilespmem:s23+$0x4520]  }
0xd9: {  	v18 =	vld [tilespmem:s23+$0x530]  }
0xda: {  	v19 =	vld [tilespmem:s23+$0x4530]  }
0xdb: {  	v20 =	vld [tilespmem:s23+$0x500]  }
0xdc: {  	v54 =	vld [tilespmem:s23+$0x4500]  }
0xdd: {  	v55 =	vld [tilespmem:s23+$0x510]  }
0xde: {  	v56 =	vld [tilespmem:s23+$0x4510]  }
0xdf: {  	v5 =	vld [tilespmem:s23+$0x4E0]  }
0xe0: {  	v57 =	vld [tilespmem:s23+$0x4C0]  }
0xe1: {  	v58 =	vld [tilespmem:s23+$0x44C0]  }
0xe2: {  	v59 =	vld [tilespmem:s23+$0x4D0]  }
0xe3: {  	v60 =	vld [tilespmem:s23+$0x44D0];
	v3 =	vmul.f32 v4, v3;
	v4 =	vmul.f32 v7, v6  }
0xe4: {  	v61 =	vld [tilespmem:s23+$0x4A0];
	v7 =	vmul.f32 v9, v8;
	v9 =	vmul.f32 v11, v10  }
0xe5: {  	v62 =	vld [tilespmem:s23+$0x44A0];
	v3 =	vadd.f32 v4, v3  }
0xe6: {  	v63 =	vld [tilespmem:s23+$0x4450];
	v10 =	vmul.f32 v15, v14;
	v4 =	vmul.f32 v13, v12;
	v7 =	vadd.f32 v9, v7  }
0xe7: {  	v6 =	vld [tilespmem:s23+$0x4B0];
	v9 =	vmul.f32 v17, v16;
	v12 =	vmul.f32 v19, v18;
	(xrf2) =	vadd.scan.msk.f32 $0xffff, v3  }
0xe8: {  	v11 =	vld [tilespmem:s23+$0x44B0];
	v3 =	vadd.f32 v10, v4;
	(xrf2) =	vadd.scan.msk.f32 $0xffff, v7  }
0xe9: {  	v8 =	vld [tilespmem:s23+$0x480];
	v4 =	vadd.f32 v12, v9  }
0xea: {  	v14 =	vld [tilespmem:s23+$0x460];
	(xrf2) =	vadd.scan.msk.f32 $0xffff, v3  }
0xeb: {  	v15 =	vld [tilespmem:s23+$0x4460];
	v3 =	vmul.f32 v54, v20;
	(xrf2) =	vadd.scan.msk.f32 $0xffff, v4;
	v4 =	vmul.f32 v56, v55  }
0xec: {  	v17 =	vld [tilespmem:s23+$0x440]  }
0xed: {  	v12 =	vld [tilespmem:s23+$0x4470];
	v4 =	vadd.f32 v4, v3  }
0xee: {  	v13 =	vmul.f32 v58, v57;
	v16 =	vmul.f32 v60, v59;
	v7 =	vld [tilespmem:s23+$0x470]  }
0xef: {  	v18 =	vld [tilespmem:s23+$0x4440];
	(xrf2) =	vadd.scan.msk.f32 $0xffff, v4  }
0xf0: {  	v19 =	vld [tilespmem:s23+$0x450];
	v16 =	vadd.f32 v16, v13  }
0xf1: {  	v9 =	vld [tilespmem:s23+$0x4400];
	v6 =	vmul.f32 v11, v6;
	v20 =	vmul.f32 v62, v61;
	v3, _, _ =	vpop (xrf2)  }
0xf2: {  	v10 =	vld [tilespmem:s23+$0x400];
	v4, _, _ =	vpop (xrf2);
	(xrf2) =	vadd.scan.msk.f32 $0xffff, v16  }
0xf3: {  	v13 =	vld [tilespmem:s23+$0x4410];
	v20 =	vadd.f32 v6, v20;
	v7 =	vmul.f32 v12, v7  }
0xf4: {  	v11 =	vld [tilespmem:s23+$0x410];
	v15 =	vmul.f32 v15, v14  }
0xf5: {  	v14 =	vld [tilespmem:s23+$0x4420];
	(xrf2) =	vadd.scan.msk.f32 $0xffff, v20  }
0xf6: {  	v12 =	vld [tilespmem:s23+$0x420];
	v16 =	vadd.f32 v7, v15;
	v6, _, _ =	vpop (xrf2)  }
0xf7: {  	s22 =	simm.s32 $0x8800;
	s24 =	simm.s32 $0x1000;
	v17 =	vmul.f32 v18, v17;
	v18 =	vmul.f32 v63, v19;
	v15 =	vld [tilespmem:s23+$0x430];
	v7, _, _ =	vpop (xrf2)  }
.LBB2_2:
0xf8: {  	p0 =	sne.s32 s24, $0xF800;
	v19 =	vld [tilespmem:s23+$0x4430];
	(xrf2) =	vadd.scan.msk.f32 $0xffff, v16  }
0xf9: {  	v20 =	vadd.f32 v18, v17;
	v17 =	vld [tilespmem:s23+$0x4480];
	v18, _, _ =	vpop (xrf2)  }
0xfa: {  	v9 =	vmul.f32 v9, v10;
	v10 =	vmul.f32 v13, v11;
	v11 =	vld [tilespmem:s23+$0x490]  }
0xfb: {  	v13 =	vld [tilespmem:s23+$0x4490];
	(xrf2) =	vadd.scan.msk.f32 $0xffff, v20  }
0xfc: {  	v9 =	vadd.f32 v10, v9;
	v10 =	vld [tilespmem:s23+$0x44E0];
	v16, _, _ =	vpop (xrf2)  }
0xfd: {  	v12 =	vmul.f32 v14, v12;
	v20 =	vmul.f32 v19, v15;
	v15 =	vld [tilespmem:s23+$0x4F0]  }
0xfe: {  	v19 =	vld [tilespmem:s23+$0x44F0];
	(xrf2) =	vadd.scan.msk.f32 $0xffff, v9  }
0xff: {  	v9 =	vadd.f32 v20, v12;
	v12 =	vld [tilespmem:s23+$0x4540];
	v14, _, _ =	vpop (xrf2)  }
0x100: {  	v8 =	vmul.f32 v17, v8;
	v20 =	vmul.f32 v13, v11;
	v13 =	vld [tilespmem:s23+$0x550]  }
0x101: {  	v17 =	vld [tilespmem:s23+$0x4550];
	(xrf2) =	vadd.scan.msk.f32 $0xffff, v9  }
0x102: {  	v8 =	vadd.f32 v20, v8;
	v9 =	vld [tilespmem:s23+$0x45A0];
	v11, _, _ =	vpop (xrf2)  }
0x103: {  	v5 =	vmul.f32 v10, v5;
	v20 =	vmul.f32 v19, v15;
	v15 =	vld [tilespmem:s23+$0x5B0]  }
0x104: {  	v19 =	vld [tilespmem:s23+$0x45B0];
	(xrf2) =	vadd.scan.msk.f32 $0xffff, v8  }
0x105: {  	v5 =	vadd.f32 v20, v5;
	v8 =	vld [tilespmem:s23+$0x5E0];
	v10, _, _ =	vpop (xrf2)  }
0x106: {  	v2 =	vmul.f32 v12, v2;
	v20 =	vmul.f32 v17, v13;
	v13 =	vld [tilespmem:s23+$0x45E0]  }
0x107: {  	v17 =	vld [tilespmem:s23+$0x5F0];
	(xrf2) =	vadd.scan.msk.f32 $0xffff, v5  }
0x108: {  	v2 =	vadd.f32 v20, v2;
	v5 =	vld [tilespmem:s23+$0x45F0];
	v12, _, _ =	vpop (xrf2)  }
0x109: {  	v1 =	vmul.f32 v9, v1;
	v9 =	vmul.f32 v19, v15  }
0x10a: {  	(xrf2) =	vadd.scan.msk.f32 $0xffff, v2  }
0x10b: {  	v1 =	vadd.f32 v9, v1;
	v2 =	vmul.f32 v13, v8;
	v8, _, _ =	vpop (xrf2)  }
0x10c: {  	v12 =	vbroadcast v12, $0xF;
	v8 =	vbroadcast v8, $0xF  }
0x10d: {  	v10 =	vbroadcast v10, $0xF;
	v5 =	vmul.f32 v5, v17;
	(xrf2) =	vadd.scan.msk.f32 $0xffff, v1  }
0x10e: {  	v1 =	vsel vm0, v12, v8;
	v8 =	vbroadcast v11, $0xF;
	v9, _, _ =	vpop (xrf2)  }
0x10f: {  	v1 =	vsel vm1, v1, v10;
	v10 =	vbroadcast v9, $0xF;
	v2 =	vadd.f32 v5, v2  }
0x110: {  	v5 =	vbroadcast v14, $0xF;
	v1 =	vsel vm2, v1, v8  }
0x111: {  	v8 =	vbroadcast v16, $0xF;
	v1 =	vsel vm3, v1, v10;
	v9, _, _ =	vpop (xrf2);
	(xrf2) =	vadd.scan.msk.f32 $0xffff, v2  }
0x112: {  	v1 =	vsel vm4, v1, v5;
	v2 =	vbroadcast v9, $0xF  }
0x113: {  	v5 =	vbroadcast v18, $0xF;
	v1 =	vsel vm5, v1, v8  }
0x114: {  	v1 =	vsel vm6, v1, v2;
	v2 =	vbroadcast v7, $0xF;
	v7, _, _ =	vpop (xrf2)  }
0x115: {  	v1 =	vsel vm7, v1, v5;
	v7 =	vbroadcast v7, $0xF  }
0x116: {  	v1 =	vsel vm8, v1, v2;
	v2 =	vbroadcast v6, $0xF  }
0x117: {  	v4 =	vbroadcast v4, $0xF;
	v1 =	vsel vm9, v1, v7;
	v5, _, _ =	vpop (xrf2)  }
0x118: {  	v1 =	vsel vm10, v1, v2;
	v5 =	vbroadcast v5, $0xF  }
0x119: {  	v3 =	vbroadcast v3, $0xF;
	v1 =	vsel vm11, v1, v4  }
0x11a: {  	v1 =	vsel vm12, v1, v5  }
0x11b: {  	v1 =	vsel vm13, v1, v3;
	v2, _, _ =	vpop (xrf2)  }
0x11c: {  	s22 =	sadd.s32 $0x10, s22;
	v1 =	vsel vm14, v1, v2  }
0x11d: {  	s23 =	sshra.s32 s24, $0x2;
	[tilespmem:s22+$0x0] =	vst v1  }
0x11e: {  	v3 =	vld [tilespmem:s23+$0x5C0]  }
0x11f: {  	v4 =	vld [tilespmem:s23+$0x45C0]  }
0x120: {  	v6 =	vld [tilespmem:s23+$0x5D0]  }
0x121: {  	v7 =	vld [tilespmem:s23+$0x45D0]  }
0x122: {  	v1 =	vld [tilespmem:s23+$0x5A0]  }
0x123: {  	v8 =	vld [tilespmem:s23+$0x580]  }
0x124: {  	v9 =	vld [tilespmem:s23+$0x4580]  }
0x125: {  	v10 =	vld [tilespmem:s23+$0x590]  }
0x126: {  	v11 =	vld [tilespmem:s23+$0x4590]  }
0x127: {  	v12 =	vld [tilespmem:s23+$0x560]  }
0x128: {  	v13 =	vld [tilespmem:s23+$0x4560]  }
0x129: {  	v14 =	vld [tilespmem:s23+$0x570]  }
0x12a: {  	v15 =	vld [tilespmem:s23+$0x4570]  }
0x12b: {  	v2 =	vld [tilespmem:s23+$0x540]  }
0x12c: {  	v16 =	vld [tilespmem:s23+$0x520]  }
0x12d: {  	v17 =	vld [tilespmem:s23+$0x4520]  }
0x12e: {  	v18 =	vld [tilespmem:s23+$0x530]  }
0x12f: {  	v19 =	vld [tilespmem:s23+$0x4530]  }
0x130: {  	v20 =	vld [tilespmem:s23+$0x500]  }
0x131: {  	v21 =	vld [tilespmem:s23+$0x4500]  }
0x132: {  	v22 =	vld [tilespmem:s23+$0x510]  }
0x133: {  	v23 =	vld [tilespmem:s23+$0x4510]  }
0x134: {  	v3 =	vmul.f32 v4, v3;
	v4 =	vmul.f32 v7, v6;
	v5 =	vld [tilespmem:s23+$0x4E0]  }
0x135: {  	v6 =	vld [tilespmem:s23+$0x4C0]  }
0x136: {  	v3 =	vadd.f32 v4, v3;
	v7 =	vld [tilespmem:s23+$0x44C0]  }
0x137: {  	v8 =	vmul.f32 v9, v8;
	v9 =	vmul.f32 v11, v10;
	v4 =	vld [tilespmem:s23+$0x4D0]  }
0x138: {  	v10 =	vld [tilespmem:s23+$0x44D0];
	(xrf2) =	vadd.scan.msk.f32 $0xffff, v3  }
0x139: {  	v3 =	vadd.f32 v9, v8;
	v11 =	vld [tilespmem:s23+$0x4A0]  }
0x13a: {  	v8 =	vmul.f32 v13, v12;
	v9 =	vmul.f32 v15, v14;
	v24 =	vld [tilespmem:s23+$0x44A0]  }
0x13b: {  	v12 =	vld [tilespmem:s23+$0x4B0];
	(xrf2) =	vadd.scan.msk.f32 $0xffff, v3  }
0x13c: {  	v3 =	vadd.f32 v9, v8;
	v13 =	vld [tilespmem:s23+$0x44B0]  }
0x13d: {  	v14 =	vmul.f32 v19, v18;
	v9 =	vmul.f32 v17, v16;
	v8 =	vld [tilespmem:s23+$0x480]  }
0x13e: {  	v15 =	vld [tilespmem:s23+$0x460];
	(xrf2) =	vadd.scan.msk.f32 $0xffff, v3  }
0x13f: {  	v25 =	vadd.f32 v14, v9;
	v16 =	vld [tilespmem:s23+$0x4460]  }
0x140: {  	v17 =	vmul.f32 v23, v22;
	v9 =	vmul.f32 v21, v20;
	v14 =	vld [tilespmem:s23+$0x470]  }
0x141: {  	v18 =	vld [tilespmem:s23+$0x4470];
	(xrf2) =	vadd.scan.msk.f32 $0xffff, v25  }
0x142: {  	v9 =	vadd.f32 v17, v9;
	v19 =	vld [tilespmem:s23+$0x440];
	v3, _, _ =	vpop (xrf2)  }
0x143: {  	v6 =	vmul.f32 v7, v6;
	v7 =	vmul.f32 v10, v4;
	v17 =	vld [tilespmem:s23+$0x4440]  }
0x144: {  	v20 =	vld [tilespmem:s23+$0x450];
	(xrf2) =	vadd.scan.msk.f32 $0xffff, v9  }
0x145: {  	v22 =	vadd.f32 v7, v6;
	v21 =	vld [tilespmem:s23+$0x4450];
	v4, _, _ =	vpop (xrf2)  }
0x146: {  	v7 =	vmul.f32 v24, v11;
	v12 =	vmul.f32 v13, v12;
	v9 =	vld [tilespmem:s23+$0x4400]  }
0x147: {  	v10 =	vld [tilespmem:s23+$0x400];
	(xrf2) =	vadd.scan.msk.f32 $0xffff, v22  }
.Ltmp0:
0x148: {  	v22 =	vadd.f32 v12, v7;
	v11 =	vld [tilespmem:s23+$0x410];
	v6, _, _ =	vpop (xrf2);
	(pc) =	sbr.rel @p0 .LBB2_2-.Ltmp0, $4  }
0x149: {  	v15 =	vmul.f32 v16, v15;
	v16 =	vmul.f32 v18, v14;
	v13 =	vld [tilespmem:s23+$0x4410]  }
0x14a: {  	v12 =	vld [tilespmem:s23+$0x420];
	(xrf2) =	vadd.scan.msk.f32 $0xffff, v22  }
0x14b: {  	v16 =	vadd.f32 v16, v15;
	v14 =	vld [tilespmem:s23+$0x4420];
	v7, _, _ =	vpop (xrf2)  }
0x14c: {  	s24 =	sadd.s32 $0x800, s24;
	v17 =	vmul.f32 v17, v19;
	v18 =	vmul.f32 v21, v20;
	v15 =	vld [tilespmem:s23+$0x430]  }
0x14d: {  	v19 =	vld [tilespmem:s23+$0x4430]  }
0x14e: {  	v20 =	vld [tilespmem:s23+$0x4480]  }
0x14f: {  	v21 =	vld [tilespmem:s23+$0x490]  }
0x150: {  	v22 =	vld [tilespmem:s23+$0x4490]  }
0x151: {  	v9 =	vmul.f32 v9, v10;
	v59 =	vld [tilespmem:s23+$0x44E0];
	v58 =	vmul.f32 v13, v11  }
0x152: {  	v62 =	vld [tilespmem:s23+$0x4F0];
	v60 =	vadd.f32 v18, v17;
	v12 =	vmul.f32 v14, v12;
	v61 =	vmul.f32 v19, v15  }
0x153: {  	(xrf2) =	vadd.scan.msk.f32 $0xffff, v16;
	v63 =	vld [tilespmem:s23+$0x44F0];
	v9 =	vadd.f32 v58, v9  }
0x154: {  	v23 =	vld [tilespmem:s23+$0x4540];
	(xrf2) =	vadd.scan.msk.f32 $0xffff, v60;
	v12 =	vadd.f32 v61, v12  }
0x155: {  	v25 =	vld [tilespmem:s23+$0x550];
	(xrf2) =	vadd.scan.msk.f32 $0xffff, v9;
	v8 =	vmul.f32 v20, v8;
	v24 =	vmul.f32 v22, v21  }
0x156: {  	v26 =	vld [tilespmem:s23+$0x4550];
	(xrf2) =	vadd.scan.msk.f32 $0xffff, v12  }
0x157: {  	v27 =	vld [tilespmem:s23+$0x45A0];
	v8 =	vadd.f32 v24, v8  }
0x158: {  	v28 =	vld [tilespmem:s23+$0x5B0];
	v5 =	vmul.f32 v59, v5;
	v10 =	vmul.f32 v63, v62  }
0x159: {  	v29 =	vld [tilespmem:s23+$0x45B0];
	(xrf2) =	vadd.scan.msk.f32 $0xffff, v8  }
0x15a: {  	v31 =	vld [tilespmem:s23+$0x5E0];
	v30, _, _ =	vpop (xrf2);
	v5 =	vadd.f32 v10, v5  }
0x15b: {  	v34 =	vld [tilespmem:s23+$0x45E0];
	v32, _, _ =	vpop (xrf2);
	v2 =	vmul.f32 v23, v2;
	v33 =	vmul.f32 v26, v25  }
0x15c: {  	v36 =	vld [tilespmem:s23+$0x5F0];
	v35, _, _ =	vpop (xrf2);
	(xrf2) =	vadd.scan.msk.f32 $0xffff, v5  }
0x15d: {  	v38 =	vld [tilespmem:s23+$0x45F0];
	v2 =	vadd.f32 v33, v2;
	v37, _, _ =	vpop (xrf2)  }
0x15e: {  	v1 =	vmul.f32 v27, v1;
	v40 =	vmul.f32 v29, v28;
	v39, _, _ =	vpop (xrf2)  }
0x15f: {  	(xrf2) =	vadd.scan.msk.f32 $0xffff, v2;
	v41, _, _ =	vpop (xrf2)  }
0x160: {  	v42 =	vmul.f32 v34, v31;
	v1 =	vadd.f32 v40, v1;
	v43, _, _ =	vpop (xrf2)  }
0x161: {  	v44 =	vbroadcast v41, $0xF;
	v9 =	vbroadcast v43, $0xF  }
0x162: {  	v46 =	vmul.f32 v38, v36;
	(xrf2) =	vadd.scan.msk.f32 $0xffff, v1;
	v45 =	vbroadcast v39, $0xF  }
0x163: {  	v5 =	vbroadcast v37, $0xF;
	v48, _, _ =	vpop (xrf2);
	v47 =	vsel vm0, v44, v9  }
0x164: {  	v2 =	vadd.f32 v46, v42;
	v9 =	vbroadcast v48, $0xF;
	v1 =	vsel vm1, v47, v45  }
0x165: {  	v49 =	vbroadcast v35, $0xF;
	v1 =	vsel vm2, v1, v5  }
0x166: {  	v50 =	vbroadcast v32, $0xF;
	v51, _, _ =	vpop (xrf2);
	(xrf2) =	vadd.scan.msk.f32 $0xffff, v2;
	v1 =	vsel vm3, v1, v9  }
0x167: {  	v52 =	vbroadcast v51, $0xF;
	v1 =	vsel vm4, v1, v49  }
0x168: {  	v53 =	vbroadcast v30, $0xF;
	v1 =	vsel vm5, v1, v50  }
0x169: {  	v54 =	vbroadcast v7, $0xF;
	v55, _, _ =	vpop (xrf2);
	v1 =	vsel vm6, v1, v52  }
0x16a: {  	v56 =	vbroadcast v55, $0xF;
	v1 =	vsel vm7, v1, v53  }
0x16b: {  	v57 =	vbroadcast v6, $0xF;
	v1 =	vsel vm8, v1, v54  }
0x16c: {  	v4 =	vbroadcast v4, $0xF;
	v58, _, _ =	vpop (xrf2);
	v1 =	vsel vm9, v1, v56  }
0x16d: {  	v59 =	vbroadcast v58, $0xF;
	v1 =	vsel vm10, v1, v57  }
0x16e: {  	v3 =	vbroadcast v3, $0xF;
	v1 =	vsel vm11, v1, v4  }
0x16f: {  	v1 =	vsel vm12, v1, v59  }
0x170: {  	v60, _, _ =	vpop (xrf2);
	v1 =	vsel vm13, v1, v3  }
0x171: {  	s22 =	sadd.s32 $0x10, s22;
	v1 =	vsel vm14, v1, v60  }
0x172: {  	[tilespmem:s22+$0x0] =	vst v1  }
0x173: {  	v1 =	vld [tilespmem:$0x8800]  }
0x174: {  	v2 =	vld [tilespmem:$0x8400]  }
0x175: {  	v3 =	vld [tilespmem:$0x8600]  }
0x176: {  	v4 =	vld [tilespmem:$0x8810]  }
0x177: {  	v5 =	vld [tilespmem:$0x8410]  }
0x178: {  	v6 =	vld [tilespmem:$0x8610]  }
0x179: {  	v7 =	vld [tilespmem:$0x8820]  }
0x17a: {  	v61 =	vld [tilespmem:$0x8420]  }
0x17b: {  	v9 =	vld [tilespmem:$0x8620]  }
0x17c: {  	v10 =	vld [tilespmem:$0x8830]  }
0x17d: {  	v62 =	vld [tilespmem:$0x8430]  }
0x17e: {  	v12 =	vld [tilespmem:$0x8630]  }
0x17f: {  	v13 =	vld [tilespmem:$0x8840]  }
0x180: {  	v63 =	vld [tilespmem:$0x8440]  }
0x181: {  	v15 =	vld [tilespmem:$0x8640]  }
0x182: {  	v16 =	vld [tilespmem:$0x8850]  }
0x183: {  	v17 =	vld [tilespmem:$0x8450]  }
0x184: {  	v56 =	vld [tilespmem:$0x8650]  }
0x185: {  	v57 =	vld [tilespmem:$0x8860]  }
0x186: {  	v58 =	vld [tilespmem:$0x8460]  }
0x187: {  	v59 =	vld [tilespmem:$0x8660]  }
0x188: {  	v60 =	vld [tilespmem:$0x8870]  }
0x189: {  	v23 =	vld [tilespmem:$0x8470]  }
0x18a: {  	v24 =	vld [tilespmem:$0x8670]  }
0x18b: {  	v25 =	vld [tilespmem:$0x8880]  }
0x18c: {  	v26 =	vld [tilespmem:$0x8480]  }
0x18d: {  	v27 =	vld [tilespmem:$0x8680]  }
0x18e: {  	v28 =	vld [tilespmem:$0x8890]  }
0x18f: {  	v29 =	vld [tilespmem:$0x8490]  }
0x190: {  	v30 =	vld [tilespmem:$0x8690]  }
0x191: {  	v31 =	vld [tilespmem:$0x88A0]  }
0x192: {  	v32 =	vld [tilespmem:$0x84A0]  }
0x193: {  	v33 =	vld [tilespmem:$0x86A0]  }
0x194: {  	v34 =	vld [tilespmem:$0x88B0]  }
0x195: {  	v35 =	vld [tilespmem:$0x84B0]  }
0x196: {  	v36 =	vld [tilespmem:$0x86B0]  }
0x197: {  	v37 =	vld [tilespmem:$0x88C0]  }
0x198: {  	v38 =	vld [tilespmem:$0x84C0]  }
0x199: {  	v39 =	vld [tilespmem:$0x86C0]  }
0x19a: {  	v40 =	vld [tilespmem:$0x88D0]  }
0x19b: {  	v41 =	vld [tilespmem:$0x84D0]  }
0x19c: {  	v42 =	vld [tilespmem:$0x86D0]  }
0x19d: {  	v43 =	vld [tilespmem:$0x88E0]  }
0x19e: {  	v44 =	vld [tilespmem:$0x84E0]  }
0x19f: {  	v45 =	vld [tilespmem:$0x86E0]  }
0x1a0: {  	v46 =	vld [tilespmem:$0x88F0]  }
0x1a1: {  	v47 =	vld [tilespmem:$0x84F0]  }
0x1a2: {  	v48 =	vld [tilespmem:$0x86F0]  }
0x1a3: {  	v49 =	vld [tilespmem:$0x8900]  }
0x1a4: {  	v50 =	vld [tilespmem:$0x8500]  }
0x1a5: {  	v51 =	vld [tilespmem:$0x8700]  }
0x1a6: {  	v52 =	vld [tilespmem:$0x8910]  }
0x1a7: {  	v53 =	vld [tilespmem:$0x8510]  }
0x1a8: {  	v8 =	vld [tilespmem:$0x8720]  }
0x1a9: {  	v14 =	vld [tilespmem:$0x8730];
	v1 =	vadd.f32 v2, v1;
	v4 =	vadd.f32 v5, v4  }
0x1aa: {  	v18 =	vld [tilespmem:$0x8540];
	v61 =	vadd.f32 v61, v7;
	v62 =	vadd.f32 v62, v10  }
0x1ab: {  	v22 =	vld [tilespmem:$0x8950];
	v63 =	vadd.f32 v63, v13;
	v17 =	vadd.f32 v17, v16  }
0x1ac: {  	v54 =	vld [tilespmem:$0x8550];
	v20 =	vadd.f32 v58, v57;
	v23 =	vadd.f32 v23, v60  }
0x1ad: {  	v2 =	vld [tilespmem:$0x8710];
	v26 =	vadd.f32 v26, v25;
	v29 =	vadd.f32 v29, v28  }
0x1ae: {  	v5 =	vld [tilespmem:$0x8920];
	v32 =	vadd.f32 v32, v31;
	v35 =	vadd.f32 v35, v34  }
0x1af: {  	v7 =	vld [tilespmem:$0x8520];
	v55 =	vadd.f32 v38, v37;
	v57 =	vadd.f32 v44, v43  }
0x1b0: {  	v10 =	vld [tilespmem:$0x8930];
	v60 =	vadd.f32 v50, v49;
	v1 =	vadd.f32 v3, v1  }
0x1b1: {  	v16 =	vld [tilespmem:$0x8940];
	v4 =	vadd.f32 v6, v4;
	v3 =	vadd.f32 v9, v61  }
0x1b2: {  	v28 =	vld [tilespmem:$0x8960];
	v6 =	vadd.f32 v12, v62;
	v9 =	vadd.f32 v15, v63  }
0x1b3: {  	v58 =	vld [tilespmem:$0x8560];
	v11 =	vadd.f32 v56, v17;
	v13 =	vadd.f32 v59, v20  }
0x1b4: {  	v34 =	vld [tilespmem:$0x8570];
	v15 =	vadd.f32 v24, v23;
	v17 =	vadd.f32 v27, v26  }
0x1b5: {  	v38 =	vld [tilespmem:$0x8980];
	v19 =	vadd.f32 v30, v29;
	v21 =	vadd.f32 v33, v32  }
0x1b6: {  	v44 =	vld [tilespmem:$0x8790];
	v23 =	vadd.f32 v36, v35;
	v56 =	vadd.f32 v41, v40  }
0x1b7: {  	v49 =	vld [tilespmem:$0x85A0];
	v25 =	vadd.f32 v39, v55;
	v59 =	vadd.f32 v47, v46  }
0x1b8: {  	v12 =	vld [tilespmem:$0x8530];
	v29 =	vadd.f32 v45, v57;
	v61 =	vadd.f32 v53, v52  }
0x1b9: {  	v20 =	vld [tilespmem:$0x8740];
	v27 =	vadd.f32 v42, v56;
	v1 =	vadd.f32 v1, v0  }
0x1ba: {  	v26 =	vld [tilespmem:$0x8750];
	v4 =	vadd.f32 v4, v0;
	v31 =	vadd.f32 v48, v59  }
0x1bb: {  	v32 =	vld [tilespmem:$0x8760];
	v3 =	vadd.f32 v3, v0;
	v6 =	vadd.f32 v6, v0  }
0x1bc: {  	v33 =	vld [tilespmem:$0x8970];
	v62 =	vadd.f32 v9, v0;
	v9 =	vadd.f32 v51, v60;
	[tilespmem:$0x8800] =	vst v1  }
0x1bd: {  	v36 =	vld [tilespmem:$0x8770];
	v63 =	vadd.f32 v11, v0;
	v39 =	vadd.f32 v13, v0;
	[tilespmem:$0x8810] =	vst v4  }
0x1be: {  	v35 =	vld [tilespmem:$0x8580];
	v41 =	vadd.f32 v15, v0;
	v43 =	vadd.f32 v17, v0;
	[tilespmem:$0x8820] =	vst v3  }
0x1bf: {  	v40 =	vld [tilespmem:$0x8990];
	v45 =	vadd.f32 v19, v0;
	v47 =	vadd.f32 v21, v0;
	[tilespmem:$0x8830] =	vst v6  }
0x1c0: {  	v46 =	vld [tilespmem:$0x89A0];
	v50 =	vadd.f32 v23, v0;
	v51 =	vadd.f32 v54, v22;
	[tilespmem:$0x8840] =	vst v62  }
0x1c1: {  	v52 =	vld [tilespmem:$0x87A0];
	v53 =	vadd.f32 v25, v0;
	v57 =	vadd.f32 v29, v0;
	[tilespmem:$0x8850] =	vst v63  }
0x1c2: {  	v11 =	vld [tilespmem:$0x8780];
	v2 =	vadd.f32 v2, v61;
	v5 =	vadd.f32 v7, v5;
	[tilespmem:$0x8860] =	vst v39  }
0x1c3: {  	v42 =	vld [tilespmem:$0x8590];
	v48 =	vadd.f32 v18, v16;
	v58 =	vadd.f32 v58, v28;
	[tilespmem:$0x8870] =	vst v41  }
0x1c4: {  	v54 =	vld [tilespmem:$0x89B0];
	[tilespmem:$0x8880] =	vst v43;
	v55 =	vadd.f32 v27, v0;
	v60 =	vadd.f32 v31, v0  }
0x1c5: {  	v56 =	vld [tilespmem:$0x85B0];
	[tilespmem:$0x8890] =	vst v45;
	v63 =	vadd.f32 v9, v0;
	v10 =	vadd.f32 v12, v10  }
0x1c6: {  	v59 =	vld [tilespmem:$0x87B0];
	[tilespmem:$0x88A0] =	vst v47;
	v5 =	vadd.f32 v8, v5;
	v16 =	vadd.f32 v26, v51  }
0x1c7: {  	v29 =	vld [tilespmem:$0x85C0];
	[tilespmem:$0x88B0] =	vst v50;
	v61 =	vadd.f32 v34, v33;
	v28 =	vadd.f32 v32, v58  }
0x1c8: {  	v62 =	vld [tilespmem:$0x89C0];
	[tilespmem:$0x88C0] =	vst v53;
	v2 =	vadd.f32 v2, v0;
	v33 =	vadd.f32 v35, v38  }
0x1c9: {  	v31 =	vld [tilespmem:$0x87C0];
	[tilespmem:$0x88E0] =	vst v57;
	v10 =	vadd.f32 v14, v10;
	v14 =	vadd.f32 v20, v48  }
0x1ca: {  	v43 =	vld [tilespmem:$0x85E0];
	[tilespmem:$0x88D0] =	vst v55;
	v30 =	vadd.f32 v36, v61;
	v32 =	vadd.f32 v5, v0  }
0x1cb: {  	v45 =	vld [tilespmem:$0x89F0];
	[tilespmem:$0x88F0] =	vst v60;
	v7 =	vadd.f32 v42, v40;
	v5 =	vadd.f32 v11, v33  }
0x1cc: {  	v34 =	vld [tilespmem:$0x89D0];
	[tilespmem:$0x8900] =	vst v63;
	v39 =	vadd.f32 v16, v0;
	v41 =	vadd.f32 v28, v0  }
0x1cd: {  	v36 =	vld [tilespmem:$0x85D0];
	[tilespmem:$0x8910] =	vst v2;
	v42 =	vadd.f32 v49, v46;
	v35 =	vadd.f32 v10, v0  }
0x1ce: {  	v40 =	vld [tilespmem:$0x89E0];
	v37 =	vadd.f32 v14, v0;
	v7 =	vadd.f32 v44, v7;
	[tilespmem:$0x8920] =	vst v32  }
0x1cf: {  	v48 =	vld [tilespmem:$0x85F0];
	v4 =	vadd.f32 v30, v0;
	v44 =	vadd.f32 v56, v54;
	[tilespmem:$0x8950] =	vst v39  }
0x1d0: {  	v38 =	vld [tilespmem:$0x87D0];
	v46 =	vadd.f32 v5, v0;
	v47 =	vadd.f32 v52, v42;
	[tilespmem:$0x8960] =	vst v41  }
0x1d1: {  	v50 =	vld [tilespmem:$0x87E0];
	v52 =	vadd.f32 v29, v62;
	[tilespmem:$0x8930] =	vst v35;
	v49 =	vadd.f32 v7, v0  }
0x1d2: {  	v53 =	vld [tilespmem:$0x87F0];
	[tilespmem:$0x8940] =	vst v37;
	v6 =	vadd.f32 v59, v44;
	v51 =	vadd.f32 v47, v0  }
0x1d3: {  	[tilespmem:$0x8970] =	vst v4;
	v56 =	vadd.f32 v31, v52;
	v55 =	vadd.f32 v36, v34  }
0x1d4: {  	[tilespmem:$0x8980] =	vst v46;
	v57 =	vadd.f32 v43, v40;
	v59 =	vadd.f32 v48, v45  }
0x1d5: {  	v54 =	vadd.f32 v6, v0;
	[tilespmem:$0x8990] =	vst v49;
	v58 =	vadd.f32 v38, v55  }
0x1d6: {  	[tilespmem:$0x89A0] =	vst v51;
	v1 =	vadd.f32 v56, v0;
	v60 =	vadd.f32 v50, v57  }
0x1d7: {  	v61 =	vadd.f32 v53, v59;
	[tilespmem:$0x89B0] =	vst v54;
	v2 =	vadd.f32 v58, v0  }
0x1d8: {  	[tilespmem:$0x89C0] =	vst v1;
	v62 =	vadd.f32 v60, v0  }
0x1d9: {  	s20 =	sadd.s32 $0x1, s20;
	v63 =	vadd.f32 v61, v0;
	[tilespmem:$0x89D0] =	vst v2  }
0x1da: {  	p0 =	sne.s32 s20, s11;
	[tilespmem:$0x89E0] =	vst v62  }
.Ltmp1:
0x1db: {  	[tilespmem:$0x89F0] =	vst v63;
	(pc) =	sbr.rel @p0 .LBB2_1-.Ltmp1, $4  }
0x1dc: {  	[hbm4b:s10+s4] =	stream.linear.scatter [tilespmem:s19], [sflag:$0x2], $0x200, $0x38;
	[tilespmem:$0x8A10] =	vst v63  }
0x1dd: {  	_ =	swait.ge [sflag:s12], $0x200  }
0x1de: {  	[sflag:s12] =	ssyncset.done $0x0  }
0x1df: {  	[sflag:s12] =	ssyncadd.s32 $0xFFFFFE00  }
0x1e0: {  	_ =	sfence.sel $0x180000  }
0x1e1: {  	[bflag:$0x0] =	sbarrier.arrive $0xFFFF  }
0x1e2: {  	_ =	strace $0x90000047  }
0x1e3: {  	s0 =	stileid.u32;
	[bflag:$0x2] =	sbarrier.arrive $0xFFFF  }
0x1e4: {  	p0 =	sne.s32 s0, $0x0;
	s0 =	rddreg [dreg:$0x7]  }
0x1e5: {  	s0 =	sadd.s32 @!p0 $0x100000, s0  }
0x1e6: {  	[sflag:s0] =	ssyncadd.tile.s32 @!p0 $0x1;
	_ =	shalt  }
.Lfunc_end2:
_tile_overlayer_lowered:
.L_overlay_start_2:
0x1e7: {  	(tag) =	ssettag $0x2  }
0x1e8: {  	s0 =	rddreg [dreg:$0x0];
	s2 =	stileid.u32  }
0x1e9: {  	s1 =	rddreg [dreg:$0x1];
	p0 =	sne.s32 s2, $0x0  }
0x1ea: {  	s3 =	rddreg [dreg:$0x2];
	[bflag:$0x3] =	sbarrier.arrive $0xFFFF;
	s2 =	simm.s32 @!p0 $0x1C02  }
0x1eb: {  	[timem:s3], [sflag:s2] =	dma.local @!p0 [hbm:s0], s1  }
0x1ec: {  	s0 =	simm.s32 @!p0 $0x2  }
0x1ed: {  	_ =	swait.ge @!p0 [sflag:s0], s1  }
0x1ee: {  	s1 =	ssub.s32 @!p0 $0x0, s1;
	[sflag:s0] =	ssyncset.done @!p0 $0x0  }
0x1ef: {  	[sflag:s0] =	ssyncadd.s32 @!p0 s1  }
0x1f0: {  	[bflag:$0x3] =	sbarrier.arrive $0xFFFF  }
0x1f1: {  	_ =	shalt  }

</sc_bundles>
